<compile_context>
chip_gen: v7x
topology: tpu7x:2x2x1
jax: 0.10.2.dev20260603
libtpu: 0.0.44.dev20260713+nightly
codegen_flags: <defaults>
</compile_context>

<pallas_src>
import functools

import jax
import jax.numpy as jnp
from jax import lax
from jax.experimental import pallas as pl
from jax.experimental.pallas import tpu as pltpu
from jax.experimental.pallas import tpu_sc as plsc

N, E, D, H, C = 10000, 320000, 128, 96, 40
NC, NS = 2, 16
LANES = 16
CHUNK = 125
NCHUNK = 80
RPT = 640
NPAD = NS * RPT


@functools.partial(
    pl.kernel,
    out_type=jax.ShapeDtypeStruct((NC, NPAD, H), jnp.float32),
    mesh=plsc.VectorSubcoreMesh(core_axis_name="c", subcore_axis_name="s"),
    compiler_params=pltpu.CompilerParams(
        needs_layout_passes=False, use_tc_tiling_on_sc=False),
    scratch_types=[
        pltpu.VMEM((NCHUNK, CHUNK), jnp.int32),
        pltpu.VMEM((NCHUNK, CHUNK), jnp.int32),
        pltpu.VMEM((CHUNK, H), jnp.float32),
        pltpu.VMEM((CHUNK, H), jnp.float32),
        pltpu.VMEM((64, H), jnp.float32),
        pltpu.VMEM_SHARED((NPAD, H), jnp.float32),
        pltpu.SemaphoreType.DMA,
        pltpu.SemaphoreType.DMA,
        pltpu.SemaphoreType.DMA,
    ],
)
def _agg(h_hbm, src_hbm, dst_hbm, out_hbm, src_v, dst_v, rows0_v, rows1_v,
         zbuf_v, agg_s, gsem, ssem0, ssem1):
    c = lax.axis_index("c")
    s = lax.axis_index("s")

    pltpu.sync_copy(src_hbm.at[c, s], src_v)
    pltpu.sync_copy(dst_hbm.at[c, s], dst_v)

    zeros = jnp.zeros((LANES,), jnp.float32)

    def zrow(i, carry):
        for j in range(H // LANES):
            zbuf_v[i, pl.ds(j * LANES, LANES)] = zeros
        return carry

    lax.fori_loop(0, 64, zrow, 0)

    def zslab(k, carry):
        pltpu.sync_copy(zbuf_v, agg_s.at[pl.ds(s * RPT + k * 64, 64)])
        return carry

    lax.fori_loop(0, RPT // 64, zslab, 0)
    plsc.subcore_barrier()

    rbs = (rows0_v, rows1_v)
    ssems = (ssem0, ssem1)

    def s_start(j, b):
        pltpu.async_copy(rbs[b], agg_s.at[dst_v.at[j]], ssems[b], add=True)

    def s_wait(j, b):
        pltpu.make_async_copy(rbs[b], agg_s.at[dst_v.at[j]],
                              ssems[b]).wait()

    for b in range(2):
        pltpu.async_copy(h_hbm.at[src_v.at[b]], rbs[b], gsem).wait()
        s_start(b, b)

    def edge_chunk(t, carry):
        for b in range(2):
            j = 2 * t + b
            s_wait(j - 2, b)
            pltpu.async_copy(h_hbm.at[src_v.at[j]], rbs[b], gsem).wait()
            s_start(j, b)
        return carry

    lax.fori_loop(1, NCHUNK // 2, edge_chunk, 0)
    s_wait(NCHUNK - 2, 0)
    s_wait(NCHUNK - 1, 1)
    plsc.subcore_barrier()

    pltpu.sync_copy(
        agg_s.at[pl.ds(s * RPT, RPT)],
        out_hbm.at[c, pl.ds(s * RPT, RPT)])


def _agg_sum(h_ref, p_ref):
    return h_ref[...] + p_ref[0, :N] + p_ref[1, :N]


def _emb_body(x_ref, w_ref, b_ref, o_ref):
    u = (jnp.dot(x_ref[...], w_ref[...], preferred_element_type=jnp.float32)
         + b_ref[...])
    o_ref[...] = u


def _bn_relu(u, g, be):
    mean = jnp.mean(u, axis=0, keepdims=True)
    var = jnp.mean((u - mean) ** 2, axis=0, keepdims=True)
    return jnp.maximum(g * (u - mean) * lax.rsqrt(var + 1e-5) + be, 0.0)


def _gin_body(h_ref, p_ref, w_ref, b_ref, g_ref, be_ref, o_ref):
    t = _agg_sum(h_ref, p_ref)
    u = (jnp.dot(t, w_ref[...], preferred_element_type=jnp.float32)
         + b_ref[...])
    o_ref[...] = _bn_relu(u, g_ref[...], be_ref[...])


def _fin_body(h_ref, p_ref, w_ref, b_ref, g_ref, be_ref, wro_ref, bro_ref,
              o_ref):
    t = _agg_sum(h_ref, p_ref)
    u = (jnp.dot(t, w_ref[...], preferred_element_type=jnp.float32)
         + b_ref[...])
    h2 = _bn_relu(u, g_ref[...], be_ref[...])
    z = (jnp.dot(h2, wro_ref[...], preferred_element_type=jnp.float32)
         + bro_ref[...])
    z = z - jnp.max(z, axis=1, keepdims=True)
    o_ref[...] = z - jnp.log(jnp.sum(jnp.exp(z), axis=1, keepdims=True))


_emb = pl.pallas_call(
    _emb_body, out_shape=jax.ShapeDtypeStruct((N, H), jnp.float32))
_gin = pl.pallas_call(
    _gin_body, out_shape=jax.ShapeDtypeStruct((N, H), jnp.float32))
_fin = pl.pallas_call(
    _fin_body, out_shape=jax.ShapeDtypeStruct((N, C), jnp.float32))


def kernel(x, edge_index, W_emb, b_emb, W1, b1, g1, be1, W2, b2, g2, be2,
           W_ro, b_ro):
    src4 = edge_index[0].reshape(NC, NS, NCHUNK, CHUNK)
    dst4 = edge_index[1].reshape(NC, NS, NCHUNK, CHUNK)
    h0 = _emb(x, W_emb, b_emb.reshape(1, H))
    p = _agg(h0, src4, dst4)
    h1 = _gin(h0, p, W1, b1.reshape(1, H), g1.reshape(1, H),
              be1.reshape(1, H))
    p = _agg(h1, src4, dst4)
    return _fin(h1, p, W2, b2.reshape(1, H), g2.reshape(1, H),
                be2.reshape(1, H), W_ro, b_ro.reshape(1, C))

# --- scband reference (transcript-rebuilt; emitter-appended) ---
"""Pipeline reference for scband-gin-pyg-58110907515584 (READ-ONLY COPY).

The authoritative reference and input builder live on the scoring server;
editing this copy changes nothing except your own understanding.
"""

import jax, jax.numpy as jnp
import numpy as np

N, E, D, H, C = 10000, 320000, 128, 96, 40

def setup_inputs(seed: int = 0) -> dict:
    key = jax.random.key(seed)
    ks = jax.random.split(key, 16)
    x = jax.random.normal(ks[0], (N, D), dtype=jnp.float32)
    edge_index = jax.random.randint(ks[1], (2, E), 0, N, dtype=jnp.int32)
    s = 0.05
    return {
        'x': x,
        'edge_index': edge_index,
        'W_emb': jax.random.normal(ks[2], (D, H), dtype=jnp.float32) * s,
        'b_emb': jnp.zeros((H,), dtype=jnp.float32),
        'W1': jax.random.normal(ks[3], (H, H), dtype=jnp.float32) * s,
        'b1': jnp.zeros((H,), dtype=jnp.float32),
        'g1': jnp.ones((H,), dtype=jnp.float32),
        'be1': jnp.zeros((H,), dtype=jnp.float32),
        'W2': jax.random.normal(ks[4], (H, H), dtype=jnp.float32) * s,
        'b2': jnp.zeros((H,), dtype=jnp.float32),
        'g2': jnp.ones((H,), dtype=jnp.float32),
        'be2': jnp.zeros((H,), dtype=jnp.float32),
        'W_ro': jax.random.normal(ks[5], (H, C), dtype=jnp.float32) * s,
        'b_ro': jnp.zeros((C,), dtype=jnp.float32),
    }

def _bn(h, gamma, beta):
    mean = jnp.mean(h, axis=0)
    var = jnp.var(h, axis=0)
    return gamma * (h - mean) / jnp.sqrt(var + 1e-5) + beta

def _gin_layer(h, src, dst, W, b, gamma, beta):
    # PyG GINConv, eps=0: out_i = nn((1+eps)*x_i + sum_{j->i} x_j)
    agg = jnp.zeros_like(h).at[dst].add(h[src])
    out = h + agg
    out = out @ W + b            # MLP num_layers=1 -> single Linear
    out = _bn(out, gamma, beta)  # ApplyNodeFunc BatchNorm1d
    return jax.nn.relu(out)

def reference(x, edge_index, W_emb, b_emb, W1, b1, g1, be1, W2, b2, g2, be2, W_ro, b_ro):
    src = edge_index[0]
    dst = edge_index[1]
    h = x @ W_emb + b_emb
    h = _gin_layer(h, src, dst, W1, b1, g1, be1)
    # dropout is identity in eval mode
    h = _gin_layer(h, src, dst, W2, b2, g2, be2)
    h = h @ W_ro + b_ro
    return jax.nn.log_softmax(h, axis=1)

if __name__ == "__main__":
    import jax
    _d = setup_inputs()
    print(jax.jit(kernel)(*tuple(_d.values())))

</pallas_src>

<mosaic_0001>
#map = affine_map<(d0, d1) -> (0, 0)>
#map1 = affine_map<(d0, d1) -> (0, 0, 0, 0)>
#map2 = affine_map<(d0, d1) -> (0, 0, 0)>
module attributes {stable_mosaic.version = 14 : i64} {
  func.func @_agg(%arg0: i32, %arg1: i32, %arg2: memref<10000x96xf32, #tpu.memory_space<hbm>>, %arg3: memref<2x16x80x125xi32, #tpu.memory_space<hbm>>, %arg4: memref<2x16x80x125xi32, #tpu.memory_space<hbm>>, %arg5: memref<2x10240x96xf32, #tpu.memory_space<hbm>>, %arg6: memref<80x125xi32, #tpu.memory_space<vmem>>, %arg7: memref<80x125xi32, #tpu.memory_space<vmem>>, %arg8: memref<125x96xf32, #tpu.memory_space<vmem>>, %arg9: memref<125x96xf32, #tpu.memory_space<vmem>>, %arg10: memref<64x96xf32, #tpu.memory_space<vmem>>, %arg11: memref<10240x96xf32, #tpu.memory_space<vmem_shared>>, %arg12: memref<!tpu.dma_semaphore, #tpu.memory_space<semaphore_mem>>, %arg13: memref<!tpu.dma_semaphore, #tpu.memory_space<semaphore_mem>>, %arg14: memref<!tpu.dma_semaphore, #tpu.memory_space<semaphore_mem>>) attributes {dimension_semantics = [#tpu.dimension_semantics<core_parallel>, #tpu.dimension_semantics<subcore_parallel>], iteration_bounds = array<i64: 2, 16>, scalar_prefetch = 0 : i64, scratch_operands = 9 : i64, tpu.core_type = #tpu.core_type<sc_vector_subcore>, window_params = [{transform_indices = #map}, {transform_indices = #map1}, {transform_indices = #map1}, {transform_indices = #map2}]} {
    "tpu.region"() ({
      %run_scoped3A = tpu.sem_alloc : memref<!tpu.dma_semaphore, #tpu.memory_space<semaphore_mem>>
      %dma_start3A_76 = arith.constant 0 : i32
      %dma_start3A_77 = arith.constant 0 : i32
      %dma_start3A_78 = tpu.memref_slice %arg3[%arg0, %arg1, %dma_start3A_76, %dma_start3A_77] : memref<2x16x80x125xi32, #tpu.memory_space<hbm>> -> memref<1x1x80x125xi32, #tpu.memory_space<hbm>>
      %dma_start3A_79 = tpu.memref_squeeze %dma_start3A_78 : memref<1x1x80x125xi32, #tpu.memory_space<hbm>> -> memref<80x125xi32, #tpu.memory_space<hbm>>
      %dma_start3A_80 = arith.constant 0 : i32
      %dma_start3A_81 = arith.constant 0 : i32
      %dma_start3A_82 = tpu.memref_slice %arg3[%arg0, %arg1, %dma_start3A_80, %dma_start3A_81] : memref<2x16x80x125xi32, #tpu.memory_space<hbm>> -> memref<1x1x80x125xi32, #tpu.memory_space<hbm>>
      %dma_start3A_83 = tpu.memref_squeeze %dma_start3A_82 : memref<1x1x80x125xi32, #tpu.memory_space<hbm>> -> memref<80x125xi32, #tpu.memory_space<hbm>>
      tpu.enqueue_dma source(%dma_start3A_83 : memref<80x125xi32, #tpu.memory_space<hbm>>) target(%arg6 : memref<80x125xi32, #tpu.memory_space<vmem>>) target_semaphore(%run_scoped3A : memref<!tpu.dma_semaphore, #tpu.memory_space<semaphore_mem>>)
      %dma_wait3A_84 = arith.constant 0 : i32
      %dma_wait3A_85 = arith.constant 0 : i32
      %dma_wait3A_86 = tpu.memref_slice %arg3[%arg0, %arg1, %dma_wait3A_84, %dma_wait3A_85] : memref<2x16x80x125xi32, #tpu.memory_space<hbm>> -> memref<1x1x80x125xi32, #tpu.memory_space<hbm>>
      %dma_wait3A_87 = tpu.memref_squeeze %dma_wait3A_86 : memref<1x1x80x125xi32, #tpu.memory_space<hbm>> -> memref<80x125xi32, #tpu.memory_space<hbm>>
      %dma_wait3A_88 = arith.constant 0 : i32
      %dma_wait3A_89 = arith.constant 0 : i32
      %dma_wait3A_90 = tpu.memref_slice %arg3[%arg0, %arg1, %dma_wait3A_88, %dma_wait3A_89] : memref<2x16x80x125xi32, #tpu.memory_space<hbm>> -> memref<1x1x80x125xi32, #tpu.memory_space<hbm>>
      %dma_wait3A_91 = tpu.memref_squeeze %dma_wait3A_90 : memref<1x1x80x125xi32, #tpu.memory_space<hbm>> -> memref<80x125xi32, #tpu.memory_space<hbm>>
      tpu.wait_dma2 semaphore(%run_scoped3A : memref<!tpu.dma_semaphore, #tpu.memory_space<semaphore_mem>>) src(%dma_wait3A_91 : memref<80x125xi32, #tpu.memory_space<hbm>>) dst(%arg6 : memref<80x125xi32, #tpu.memory_space<vmem>>)
      tpu.yield
    }) : () -> ()
    "tpu.region"() ({
      %run_scoped3A = tpu.sem_alloc : memref<!tpu.dma_semaphore, #tpu.memory_space<semaphore_mem>>
      %dma_start3A_76 = arith.constant 0 : i32
      %dma_start3A_77 = arith.constant 0 : i32
      %dma_start3A_78 = tpu.memref_slice %arg4[%arg0, %arg1, %dma_start3A_76, %dma_start3A_77] : memref<2x16x80x125xi32, #tpu.memory_space<hbm>> -> memref<1x1x80x125xi32, #tpu.memory_space<hbm>>
      %dma_start3A_79 = tpu.memref_squeeze %dma_start3A_78 : memref<1x1x80x125xi32, #tpu.memory_space<hbm>> -> memref<80x125xi32, #tpu.memory_space<hbm>>
      %dma_start3A_80 = arith.constant 0 : i32
      %dma_start3A_81 = arith.constant 0 : i32
      %dma_start3A_82 = tpu.memref_slice %arg4[%arg0, %arg1, %dma_start3A_80, %dma_start3A_81] : memref<2x16x80x125xi32, #tpu.memory_space<hbm>> -> memref<1x1x80x125xi32, #tpu.memory_space<hbm>>
      %dma_start3A_83 = tpu.memref_squeeze %dma_start3A_82 : memref<1x1x80x125xi32, #tpu.memory_space<hbm>> -> memref<80x125xi32, #tpu.memory_space<hbm>>
      tpu.enqueue_dma source(%dma_start3A_83 : memref<80x125xi32, #tpu.memory_space<hbm>>) target(%arg7 : memref<80x125xi32, #tpu.memory_space<vmem>>) target_semaphore(%run_scoped3A : memref<!tpu.dma_semaphore, #tpu.memory_space<semaphore_mem>>)
      %dma_wait3A_84 = arith.constant 0 : i32
      %dma_wait3A_85 = arith.constant 0 : i32
      %dma_wait3A_86 = tpu.memref_slice %arg4[%arg0, %arg1, %dma_wait3A_84, %dma_wait3A_85] : memref<2x16x80x125xi32, #tpu.memory_space<hbm>> -> memref<1x1x80x125xi32, #tpu.memory_space<hbm>>
      %dma_wait3A_87 = tpu.memref_squeeze %dma_wait3A_86 : memref<1x1x80x125xi32, #tpu.memory_space<hbm>> -> memref<80x125xi32, #tpu.memory_space<hbm>>
      %dma_wait3A_88 = arith.constant 0 : i32
      %dma_wait3A_89 = arith.constant 0 : i32
      %dma_wait3A_90 = tpu.memref_slice %arg4[%arg0, %arg1, %dma_wait3A_88, %dma_wait3A_89] : memref<2x16x80x125xi32, #tpu.memory_space<hbm>> -> memref<1x1x80x125xi32, #tpu.memory_space<hbm>>
      %dma_wait3A_91 = tpu.memref_squeeze %dma_wait3A_90 : memref<1x1x80x125xi32, #tpu.memory_space<hbm>> -> memref<80x125xi32, #tpu.memory_space<hbm>>
      tpu.wait_dma2 semaphore(%run_scoped3A : memref<!tpu.dma_semaphore, #tpu.memory_space<semaphore_mem>>) src(%dma_wait3A_91 : memref<80x125xi32, #tpu.memory_space<hbm>>) dst(%arg7 : memref<80x125xi32, #tpu.memory_space<vmem>>)
      tpu.yield
    }) : () -> ()
    %broadcast_in_dim3A = arith.constant 0.000000e+00 : f32
    %broadcast_in_dim3A_0 = vector.broadcast %broadcast_in_dim3A : f32 to vector<16xf32>
    %scan3A = arith.constant 0 : i32
    %scan3A_1 = arith.constant 0 : i32
    %scan3A_2 = arith.constant 64 : i32
    %scan3A_3 = arith.addi %scan3A_1, %scan3A_2 : i32
    %scan3A_4 = arith.constant 1 : i32
    scf.for %scan3A_76 = %scan3A_1 to %scan3A_3 step %scan3A_4  : i32 {
      %swap3A = arith.index_cast %scan3A_76 : i32 to index
      %swap3A_77 = arith.constant 0 : index
      %swap3A_78 = tpu.vector_load %arg10[%swap3A, %swap3A_77] {strides = array<i32>} : memref<64x96xf32, #tpu.memory_space<vmem>>, vector<16xf32>,
      tpu.vector_store %arg10[%swap3A, %swap3A_77], %broadcast_in_dim3A_0 {strides = array<i32>} : memref<64x96xf32, #tpu.memory_space<vmem>>, vector<16xf32>,
      %swap3A_79 = arith.index_cast %scan3A_76 : i32 to index
      %swap3A_80 = arith.constant 16 : index
      %swap3A_81 = tpu.vector_load %arg10[%swap3A_79, %swap3A_80] {strides = array<i32>} : memref<64x96xf32, #tpu.memory_space<vmem>>, vector<16xf32>,
      tpu.vector_store %arg10[%swap3A_79, %swap3A_80], %broadcast_in_dim3A_0 {strides = array<i32>} : memref<64x96xf32, #tpu.memory_space<vmem>>, vector<16xf32>,
      %swap3A_82 = arith.index_cast %scan3A_76 : i32 to index
      %swap3A_83 = arith.constant 32 : index
      %swap3A_84 = tpu.vector_load %arg10[%swap3A_82, %swap3A_83] {strides = array<i32>} : memref<64x96xf32, #tpu.memory_space<vmem>>, vector<16xf32>,
      tpu.vector_store %arg10[%swap3A_82, %swap3A_83], %broadcast_in_dim3A_0 {strides = array<i32>} : memref<64x96xf32, #tpu.memory_space<vmem>>, vector<16xf32>,
      %swap3A_85 = arith.index_cast %scan3A_76 : i32 to index
      %swap3A_86 = arith.constant 48 : index
      %swap3A_87 = tpu.vector_load %arg10[%swap3A_85, %swap3A_86] {strides = array<i32>} : memref<64x96xf32, #tpu.memory_space<vmem>>, vector<16xf32>,
      tpu.vector_store %arg10[%swap3A_85, %swap3A_86], %broadcast_in_dim3A_0 {strides = array<i32>} : memref<64x96xf32, #tpu.memory_space<vmem>>, vector<16xf32>,
      %swap3A_88 = arith.index_cast %scan3A_76 : i32 to index
      %swap3A_89 = arith.constant 64 : index
      %swap3A_90 = tpu.vector_load %arg10[%swap3A_88, %swap3A_89] {strides = array<i32>} : memref<64x96xf32, #tpu.memory_space<vmem>>, vector<16xf32>,
      tpu.vector_store %arg10[%swap3A_88, %swap3A_89], %broadcast_in_dim3A_0 {strides = array<i32>} : memref<64x96xf32, #tpu.memory_space<vmem>>, vector<16xf32>,
      %swap3A_91 = arith.index_cast %scan3A_76 : i32 to index
      %swap3A_92 = arith.constant 80 : index
      %swap3A_93 = tpu.vector_load %arg10[%swap3A_91, %swap3A_92] {strides = array<i32>} : memref<64x96xf32, #tpu.memory_space<vmem>>, vector<16xf32>,
      tpu.vector_store %arg10[%swap3A_91, %swap3A_92], %broadcast_in_dim3A_0 {strides = array<i32>} : memref<64x96xf32, #tpu.memory_space<vmem>>, vector<16xf32>,
    }
    %scan3A_5 = arith.constant 64 : i32
    %scan3A_6 = arith.constant 0 : i32
    %scan3A_7 = arith.constant 0 : i32
    %scan3A_8 = arith.constant 10 : i32
    %scan3A_9 = arith.addi %scan3A_7, %scan3A_8 : i32
    %scan3A_10 = arith.constant 1 : i32
    scf.for %scan3A_76 = %scan3A_7 to %scan3A_9 step %scan3A_10  : i32 {
      %mul3A_77 = arith.constant 640 : i32
      %mul3A_78 = arith.muli %arg1, %mul3A_77 : i32
      %mul3A_79 = arith.constant 64 : i32
      %mul3A_80 = arith.muli %scan3A_76, %mul3A_79 : i32
      %add3A = arith.addi %mul3A_78, %mul3A_80 : i32
      "tpu.region"() ({
        %run_scoped3A = tpu.sem_alloc : memref<!tpu.dma_semaphore, #tpu.memory_space<semaphore_mem>>
        %dma_start3A_81 = arith.constant 0 : i32
        %dma_start3A_82 = tpu.memref_slice %arg11[%add3A, %dma_start3A_81] : memref<10240x96xf32, #tpu.memory_space<vmem_shared>> -> memref<64x96xf32, #tpu.memory_space<vmem_shared>>
        %dma_start3A_83 = arith.constant 0 : i32
        %dma_start3A_84 = tpu.memref_slice %arg11[%add3A, %dma_start3A_83] : memref<10240x96xf32, #tpu.memory_space<vmem_shared>> -> memref<64x96xf32, #tpu.memory_space<vmem_shared>>
        tpu.enqueue_dma source(%arg10 : memref<64x96xf32, #tpu.memory_space<vmem>>) target(%dma_start3A_84 : memref<64x96xf32, #tpu.memory_space<vmem_shared>>) target_semaphore(%run_scoped3A : memref<!tpu.dma_semaphore, #tpu.memory_space<semaphore_mem>>)
        %dma_wait3A_85 = arith.constant 0 : i32
        %dma_wait3A_86 = tpu.memref_slice %arg11[%add3A, %dma_wait3A_85] : memref<10240x96xf32, #tpu.memory_space<vmem_shared>> -> memref<64x96xf32, #tpu.memory_space<vmem_shared>>
        %dma_wait3A_87 = arith.constant 0 : i32
        %dma_wait3A_88 = tpu.memref_slice %arg11[%add3A, %dma_wait3A_87] : memref<10240x96xf32, #tpu.memory_space<vmem_shared>> -> memref<64x96xf32, #tpu.memory_space<vmem_shared>>
        tpu.wait_dma2 semaphore(%run_scoped3A : memref<!tpu.dma_semaphore, #tpu.memory_space<semaphore_mem>>) src(%arg10 : memref<64x96xf32, #tpu.memory_space<vmem>>) dst(%dma_wait3A_88 : memref<64x96xf32, #tpu.memory_space<vmem_shared>>)
        tpu.yield
      }) : () -> ()
    }
    %scan3A_11 = arith.constant 10 : i32
    %barrier3A = arith.constant 0 : index
    tpu.barrier barrier_id(%barrier3A)
    %dma_start3A = arith.constant 0 : i32
    %dma_start3A_12 = arith.constant 0 : i32
    %dma_start3A_13 = tpu.memref_slice %arg6[%dma_start3A, %dma_start3A_12] : memref<80x125xi32, #tpu.memory_space<vmem>> -> memref<1x125xi32, #tpu.memory_space<vmem>>
    %dma_start3A_14 = tpu.memref_squeeze %dma_start3A_13 : memref<1x125xi32, #tpu.memory_space<vmem>> -> memref<125xi32, #tpu.memory_space<vmem>>
    %dma_start3A_15 = arith.constant 0 : i32
    %dma_start3A_16 = arith.constant 0 : i32
    %dma_start3A_17 = tpu.memref_slice %arg2[%dma_start3A_15, %dma_start3A_16] : memref<10000x96xf32, #tpu.memory_space<hbm>> -> memref<10000x96xf32, #tpu.memory_space<hbm>>
    tpu.enqueue_indirect_dma source(%dma_start3A_17 : memref<10000x96xf32, #tpu.memory_space<hbm>>) target(%arg8 : memref<125x96xf32, #tpu.memory_space<vmem>>) offsets(%dma_start3A_14 : memref<125xi32, #tpu.memory_space<vmem>>) semaphore(%arg12 : memref<!tpu.dma_semaphore, #tpu.memory_space<semaphore_mem>>)
    %dma_wait3A = arith.constant 0 : i32
    %dma_wait3A_18 = arith.constant 0 : i32
    %dma_wait3A_19 = tpu.memref_slice %arg6[%dma_wait3A, %dma_wait3A_18] : memref<80x125xi32, #tpu.memory_space<vmem>> -> memref<1x125xi32, #tpu.memory_space<vmem>>
    %dma_wait3A_20 = tpu.memref_squeeze %dma_wait3A_19 : memref<1x125xi32, #tpu.memory_space<vmem>> -> memref<125xi32, #tpu.memory_space<vmem>>
    %dma_wait3A_21 = arith.constant 0 : i32
    %dma_wait3A_22 = arith.constant 0 : i32
    %dma_wait3A_23 = tpu.memref_slice %arg2[%dma_wait3A_21, %dma_wait3A_22] : memref<10000x96xf32, #tpu.memory_space<hbm>> -> memref<10000x96xf32, #tpu.memory_space<hbm>>
    tpu.wait_indirect_dma semaphore(%arg12 : memref<!tpu.dma_semaphore, #tpu.memory_space<semaphore_mem>>) src(%dma_wait3A_23 : memref<10000x96xf32, #tpu.memory_space<hbm>>) dst(%arg8 : memref<125x96xf32, #tpu.memory_space<vmem>>)
    %dma_start3A_24 = arith.constant 0 : i32
    %dma_start3A_25 = arith.constant 0 : i32
    %dma_start3A_26 = tpu.memref_slice %arg7[%dma_start3A_24, %dma_start3A_25] : memref<80x125xi32, #tpu.memory_space<vmem>> -> memref<1x125xi32, #tpu.memory_space<vmem>>
    %dma_start3A_27 = tpu.memref_squeeze %dma_start3A_26 : memref<1x125xi32, #tpu.memory_space<vmem>> -> memref<125xi32, #tpu.memory_space<vmem>>
    %dma_start3A_28 = arith.constant 0 : i32
    %dma_start3A_29 = arith.constant 0 : i32
    %dma_start3A_30 = tpu.memref_slice %arg11[%dma_start3A_28, %dma_start3A_29] : memref<10240x96xf32, #tpu.memory_space<vmem_shared>> -> memref<10240x96xf32, #tpu.memory_space<vmem_shared>>
    tpu.enqueue_indirect_dma source(%arg8 : memref<125x96xf32, #tpu.memory_space<vmem>>) target(%dma_start3A_30 : memref<10240x96xf32, #tpu.memory_space<vmem_shared>>) offsets(%dma_start3A_27 : memref<125xi32, #tpu.memory_space<vmem>>) semaphore(%arg13 : memref<!tpu.dma_semaphore, #tpu.memory_space<semaphore_mem>>) {add = true}
    %dma_start3A_31 = arith.constant 1 : i32
    %dma_start3A_32 = arith.constant 0 : i32
    %dma_start3A_33 = tpu.memref_slice %arg6[%dma_start3A_31, %dma_start3A_32] : memref<80x125xi32, #tpu.memory_space<vmem>> -> memref<1x125xi32, #tpu.memory_space<vmem>>
    %dma_start3A_34 = tpu.memref_squeeze %dma_start3A_33 : memref<1x125xi32, #tpu.memory_space<vmem>> -> memref<125xi32, #tpu.memory_space<vmem>>
    %dma_start3A_35 = arith.constant 0 : i32
    %dma_start3A_36 = arith.constant 0 : i32
    %dma_start3A_37 = tpu.memref_slice %arg2[%dma_start3A_35, %dma_start3A_36] : memref<10000x96xf32, #tpu.memory_space<hbm>> -> memref<10000x96xf32, #tpu.memory_space<hbm>>
    tpu.enqueue_indirect_dma source(%dma_start3A_37 : memref<10000x96xf32, #tpu.memory_space<hbm>>) target(%arg9 : memref<125x96xf32, #tpu.memory_space<vmem>>) offsets(%dma_start3A_34 : memref<125xi32, #tpu.memory_space<vmem>>) semaphore(%arg12 : memref<!tpu.dma_semaphore, #tpu.memory_space<semaphore_mem>>)
    %dma_wait3A_38 = arith.constant 1 : i32
    %dma_wait3A_39 = arith.constant 0 : i32
    %dma_wait3A_40 = tpu.memref_slice %arg6[%dma_wait3A_38, %dma_wait3A_39] : memref<80x125xi32, #tpu.memory_space<vmem>> -> memref<1x125xi32, #tpu.memory_space<vmem>>
    %dma_wait3A_41 = tpu.memref_squeeze %dma_wait3A_40 : memref<1x125xi32, #tpu.memory_space<vmem>> -> memref<125xi32, #tpu.memory_space<vmem>>
    %dma_wait3A_42 = arith.constant 0 : i32
    %dma_wait3A_43 = arith.constant 0 : i32
    %dma_wait3A_44 = tpu.memref_slice %arg2[%dma_wait3A_42, %dma_wait3A_43] : memref<10000x96xf32, #tpu.memory_space<hbm>> -> memref<10000x96xf32, #tpu.memory_space<hbm>>
    tpu.wait_indirect_dma semaphore(%arg12 : memref<!tpu.dma_semaphore, #tpu.memory_space<semaphore_mem>>) src(%dma_wait3A_44 : memref<10000x96xf32, #tpu.memory_space<hbm>>) dst(%arg9 : memref<125x96xf32, #tpu.memory_space<vmem>>)
    %dma_start3A_45 = arith.constant 1 : i32
    %dma_start3A_46 = arith.constant 0 : i32
    %dma_start3A_47 = tpu.memref_slice %arg7[%dma_start3A_45, %dma_start3A_46] : memref<80x125xi32, #tpu.memory_space<vmem>> -> memref<1x125xi32, #tpu.memory_space<vmem>>
    %dma_start3A_48 = tpu.memref_squeeze %dma_start3A_47 : memref<1x125xi32, #tpu.memory_space<vmem>> -> memref<125xi32, #tpu.memory_space<vmem>>
    %dma_start3A_49 = arith.constant 0 : i32
    %dma_start3A_50 = arith.constant 0 : i32
    %dma_start3A_51 = tpu.memref_slice %arg11[%dma_start3A_49, %dma_start3A_50] : memref<10240x96xf32, #tpu.memory_space<vmem_shared>> -> memref<10240x96xf32, #tpu.memory_space<vmem_shared>>
    tpu.enqueue_indirect_dma source(%arg9 : memref<125x96xf32, #tpu.memory_space<vmem>>) target(%dma_start3A_51 : memref<10240x96xf32, #tpu.memory_space<vmem_shared>>) offsets(%dma_start3A_48 : memref<125xi32, #tpu.memory_space<vmem>>) semaphore(%arg14 : memref<!tpu.dma_semaphore, #tpu.memory_space<semaphore_mem>>) {add = true}
    %scan3A_52 = arith.constant 0 : i32
    %scan3A_53 = arith.constant 1 : i32
    %scan3A_54 = arith.constant 39 : i32
    %scan3A_55 = arith.addi %scan3A_53, %scan3A_54 : i32
    %scan3A_56 = arith.constant 1 : i32
    scf.for %scan3A_76 = %scan3A_53 to %scan3A_55 step %scan3A_56  : i32 {
      %mul3A_77 = arith.constant 2 : i32
      %mul3A_78 = arith.muli %mul3A_77, %scan3A_76 : i32
      %add3A = arith.constant 0 : i32
      %add3A_79 = arith.addi %mul3A_78, %add3A : i32
      %sub3A = arith.constant 2 : i32
      %sub3A_80 = arith.subi %add3A_79, %sub3A : i32
      %dma_wait3A_81 = arith.constant 0 : i32
      %dma_wait3A_82 = tpu.memref_slice %arg7[%sub3A_80, %dma_wait3A_81] : memref<80x125xi32, #tpu.memory_space<vmem>> -> memref<1x125xi32, #tpu.memory_space<vmem>>
      %dma_wait3A_83 = tpu.memref_squeeze %dma_wait3A_82 : memref<1x125xi32, #tpu.memory_space<vmem>> -> memref<125xi32, #tpu.memory_space<vmem>>
      %dma_wait3A_84 = arith.constant 0 : i32
      %dma_wait3A_85 = arith.constant 0 : i32
      %dma_wait3A_86 = tpu.memref_slice %arg11[%dma_wait3A_84, %dma_wait3A_85] : memref<10240x96xf32, #tpu.memory_space<vmem_shared>> -> memref<10240x96xf32, #tpu.memory_space<vmem_shared>>
      tpu.wait_indirect_dma semaphore(%arg13 : memref<!tpu.dma_semaphore, #tpu.memory_space<semaphore_mem>>) src(%arg8 : memref<125x96xf32, #tpu.memory_space<vmem>>) dst(%dma_wait3A_86 : memref<10240x96xf32, #tpu.memory_space<vmem_shared>>)
      %dma_start3A_87 = arith.constant 0 : i32
      %dma_start3A_88 = tpu.memref_slice %arg6[%add3A_79, %dma_start3A_87] : memref<80x125xi32, #tpu.memory_space<vmem>> -> memref<1x125xi32, #tpu.memory_space<vmem>>
      %dma_start3A_89 = tpu.memref_squeeze %dma_start3A_88 : memref<1x125xi32, #tpu.memory_space<vmem>> -> memref<125xi32, #tpu.memory_space<vmem>>
      %dma_start3A_90 = arith.constant 0 : i32
      %dma_start3A_91 = arith.constant 0 : i32
      %dma_start3A_92 = tpu.memref_slice %arg2[%dma_start3A_90, %dma_start3A_91] : memref<10000x96xf32, #tpu.memory_space<hbm>> -> memref<10000x96xf32, #tpu.memory_space<hbm>>
      tpu.enqueue_indirect_dma source(%dma_start3A_92 : memref<10000x96xf32, #tpu.memory_space<hbm>>) target(%arg8 : memref<125x96xf32, #tpu.memory_space<vmem>>) offsets(%dma_start3A_89 : memref<125xi32, #tpu.memory_space<vmem>>) semaphore(%arg12 : memref<!tpu.dma_semaphore, #tpu.memory_space<semaphore_mem>>)
      %dma_wait3A_93 = arith.constant 0 : i32
      %dma_wait3A_94 = tpu.memref_slice %arg6[%add3A_79, %dma_wait3A_93] : memref<80x125xi32, #tpu.memory_space<vmem>> -> memref<1x125xi32, #tpu.memory_space<vmem>>
      %dma_wait3A_95 = tpu.memref_squeeze %dma_wait3A_94 : memref<1x125xi32, #tpu.memory_space<vmem>> -> memref<125xi32, #tpu.memory_space<vmem>>
      %dma_wait3A_96 = arith.constant 0 : i32
      %dma_wait3A_97 = arith.constant 0 : i32
      %dma_wait3A_98 = tpu.memref_slice %arg2[%dma_wait3A_96, %dma_wait3A_97] : memref<10000x96xf32, #tpu.memory_space<hbm>> -> memref<10000x96xf32, #tpu.memory_space<hbm>>
      tpu.wait_indirect_dma semaphore(%arg12 : memref<!tpu.dma_semaphore, #tpu.memory_space<semaphore_mem>>) src(%dma_wait3A_98 : memref<10000x96xf32, #tpu.memory_space<hbm>>) dst(%arg8 : memref<125x96xf32, #tpu.memory_space<vmem>>)
      %dma_start3A_99 = arith.constant 0 : i32
      %dma_start3A_100 = tpu.memref_slice %arg7[%add3A_79, %dma_start3A_99] : memref<80x125xi32, #tpu.memory_space<vmem>> -> memref<1x125xi32, #tpu.memory_space<vmem>>
      %dma_start3A_101 = tpu.memref_squeeze %dma_start3A_100 : memref<1x125xi32, #tpu.memory_space<vmem>> -> memref<125xi32, #tpu.memory_space<vmem>>
      %dma_start3A_102 = arith.constant 0 : i32
      %dma_start3A_103 = arith.constant 0 : i32
      %dma_start3A_104 = tpu.memref_slice %arg11[%dma_start3A_102, %dma_start3A_103] : memref<10240x96xf32, #tpu.memory_space<vmem_shared>> -> memref<10240x96xf32, #tpu.memory_space<vmem_shared>>
      tpu.enqueue_indirect_dma source(%arg8 : memref<125x96xf32, #tpu.memory_space<vmem>>) target(%dma_start3A_104 : memref<10240x96xf32, #tpu.memory_space<vmem_shared>>) offsets(%dma_start3A_101 : memref<125xi32, #tpu.memory_space<vmem>>) semaphore(%arg13 : memref<!tpu.dma_semaphore, #tpu.memory_space<semaphore_mem>>) {add = true}
      %mul3A_105 = arith.constant 2 : i32
      %mul3A_106 = arith.muli %mul3A_105, %scan3A_76 : i32
      %add3A_107 = arith.constant 1 : i32
      %add3A_108 = arith.addi %mul3A_106, %add3A_107 : i32
      %sub3A_109 = arith.constant 2 : i32
      %sub3A_110 = arith.subi %add3A_108, %sub3A_109 : i32
      %dma_wait3A_111 = arith.constant 0 : i32
      %dma_wait3A_112 = tpu.memref_slice %arg7[%sub3A_110, %dma_wait3A_111] : memref<80x125xi32, #tpu.memory_space<vmem>> -> memref<1x125xi32, #tpu.memory_space<vmem>>
      %dma_wait3A_113 = tpu.memref_squeeze %dma_wait3A_112 : memref<1x125xi32, #tpu.memory_space<vmem>> -> memref<125xi32, #tpu.memory_space<vmem>>
      %dma_wait3A_114 = arith.constant 0 : i32
      %dma_wait3A_115 = arith.constant 0 : i32
      %dma_wait3A_116 = tpu.memref_slice %arg11[%dma_wait3A_114, %dma_wait3A_115] : memref<10240x96xf32, #tpu.memory_space<vmem_shared>> -> memref<10240x96xf32, #tpu.memory_space<vmem_shared>>
      tpu.wait_indirect_dma semaphore(%arg14 : memref<!tpu.dma_semaphore, #tpu.memory_space<semaphore_mem>>) src(%arg9 : memref<125x96xf32, #tpu.memory_space<vmem>>) dst(%dma_wait3A_116 : memref<10240x96xf32, #tpu.memory_space<vmem_shared>>)
      %dma_start3A_117 = arith.constant 0 : i32
      %dma_start3A_118 = tpu.memref_slice %arg6[%add3A_108, %dma_start3A_117] : memref<80x125xi32, #tpu.memory_space<vmem>> -> memref<1x125xi32, #tpu.memory_space<vmem>>
      %dma_start3A_119 = tpu.memref_squeeze %dma_start3A_118 : memref<1x125xi32, #tpu.memory_space<vmem>> -> memref<125xi32, #tpu.memory_space<vmem>>
      %dma_start3A_120 = arith.constant 0 : i32
      %dma_start3A_121 = arith.constant 0 : i32
      %dma_start3A_122 = tpu.memref_slice %arg2[%dma_start3A_120, %dma_start3A_121] : memref<10000x96xf32, #tpu.memory_space<hbm>> -> memref<10000x96xf32, #tpu.memory_space<hbm>>
      tpu.enqueue_indirect_dma source(%dma_start3A_122 : memref<10000x96xf32, #tpu.memory_space<hbm>>) target(%arg9 : memref<125x96xf32, #tpu.memory_space<vmem>>) offsets(%dma_start3A_119 : memref<125xi32, #tpu.memory_space<vmem>>) semaphore(%arg12 : memref<!tpu.dma_semaphore, #tpu.memory_space<semaphore_mem>>)
      %dma_wait3A_123 = arith.constant 0 : i32
      %dma_wait3A_124 = tpu.memref_slice %arg6[%add3A_108, %dma_wait3A_123] : memref<80x125xi32, #tpu.memory_space<vmem>> -> memref<1x125xi32, #tpu.memory_space<vmem>>
      %dma_wait3A_125 = tpu.memref_squeeze %dma_wait3A_124 : memref<1x125xi32, #tpu.memory_space<vmem>> -> memref<125xi32, #tpu.memory_space<vmem>>
      %dma_wait3A_126 = arith.constant 0 : i32
      %dma_wait3A_127 = arith.constant 0 : i32
      %dma_wait3A_128 = tpu.memref_slice %arg2[%dma_wait3A_126, %dma_wait3A_127] : memref<10000x96xf32, #tpu.memory_space<hbm>> -> memref<10000x96xf32, #tpu.memory_space<hbm>>
      tpu.wait_indirect_dma semaphore(%arg12 : memref<!tpu.dma_semaphore, #tpu.memory_space<semaphore_mem>>) src(%dma_wait3A_128 : memref<10000x96xf32, #tpu.memory_space<hbm>>) dst(%arg9 : memref<125x96xf32, #tpu.memory_space<vmem>>)
      %dma_start3A_129 = arith.constant 0 : i32
      %dma_start3A_130 = tpu.memref_slice %arg7[%add3A_108, %dma_start3A_129] : memref<80x125xi32, #tpu.memory_space<vmem>> -> memref<1x125xi32, #tpu.memory_space<vmem>>
      %dma_start3A_131 = tpu.memref_squeeze %dma_start3A_130 : memref<1x125xi32, #tpu.memory_space<vmem>> -> memref<125xi32, #tpu.memory_space<vmem>>
      %dma_start3A_132 = arith.constant 0 : i32
      %dma_start3A_133 = arith.constant 0 : i32
      %dma_start3A_134 = tpu.memref_slice %arg11[%dma_start3A_132, %dma_start3A_133] : memref<10240x96xf32, #tpu.memory_space<vmem_shared>> -> memref<10240x96xf32, #tpu.memory_space<vmem_shared>>
      tpu.enqueue_indirect_dma source(%arg9 : memref<125x96xf32, #tpu.memory_space<vmem>>) target(%dma_start3A_134 : memref<10240x96xf32, #tpu.memory_space<vmem_shared>>) offsets(%dma_start3A_131 : memref<125xi32, #tpu.memory_space<vmem>>) semaphore(%arg14 : memref<!tpu.dma_semaphore, #tpu.memory_space<semaphore_mem>>) {add = true}
    }
    %scan3A_57 = arith.constant 39 : i32
    %dma_wait3A_58 = arith.constant 78 : i32
    %dma_wait3A_59 = arith.constant 0 : i32
    %dma_wait3A_60 = tpu.memref_slice %arg7[%dma_wait3A_58, %dma_wait3A_59] : memref<80x125xi32, #tpu.memory_space<vmem>> -> memref<1x125xi32, #tpu.memory_space<vmem>>
    %dma_wait3A_61 = tpu.memref_squeeze %dma_wait3A_60 : memref<1x125xi32, #tpu.memory_space<vmem>> -> memref<125xi32, #tpu.memory_space<vmem>>
    %dma_wait3A_62 = arith.constant 0 : i32
    %dma_wait3A_63 = arith.constant 0 : i32
    %dma_wait3A_64 = tpu.memref_slice %arg11[%dma_wait3A_62, %dma_wait3A_63] : memref<10240x96xf32, #tpu.memory_space<vmem_shared>> -> memref<10240x96xf32, #tpu.memory_space<vmem_shared>>
    tpu.wait_indirect_dma semaphore(%arg13 : memref<!tpu.dma_semaphore, #tpu.memory_space<semaphore_mem>>) src(%arg8 : memref<125x96xf32, #tpu.memory_space<vmem>>) dst(%dma_wait3A_64 : memref<10240x96xf32, #tpu.memory_space<vmem_shared>>)
    %dma_wait3A_65 = arith.constant 79 : i32
    %dma_wait3A_66 = arith.constant 0 : i32
    %dma_wait3A_67 = tpu.memref_slice %arg7[%dma_wait3A_65, %dma_wait3A_66] : memref<80x125xi32, #tpu.memory_space<vmem>> -> memref<1x125xi32, #tpu.memory_space<vmem>>
    %dma_wait3A_68 = tpu.memref_squeeze %dma_wait3A_67 : memref<1x125xi32, #tpu.memory_space<vmem>> -> memref<125xi32, #tpu.memory_space<vmem>>
    %dma_wait3A_69 = arith.constant 0 : i32
    %dma_wait3A_70 = arith.constant 0 : i32
    %dma_wait3A_71 = tpu.memref_slice %arg11[%dma_wait3A_69, %dma_wait3A_70] : memref<10240x96xf32, #tpu.memory_space<vmem_shared>> -> memref<10240x96xf32, #tpu.memory_space<vmem_shared>>
    tpu.wait_indirect_dma semaphore(%arg14 : memref<!tpu.dma_semaphore, #tpu.memory_space<semaphore_mem>>) src(%arg9 : memref<125x96xf32, #tpu.memory_space<vmem>>) dst(%dma_wait3A_71 : memref<10240x96xf32, #tpu.memory_space<vmem_shared>>)
    %barrier3A_72 = arith.constant 0 : index
    tpu.barrier barrier_id(%barrier3A_72)
    %mul3A = arith.constant 640 : i32
    %mul3A_73 = arith.muli %arg1, %mul3A : i32
    %mul3A_74 = arith.constant 640 : i32
    %mul3A_75 = arith.muli %arg1, %mul3A_74 : i32
    "tpu.region"() ({
      %run_scoped3A = tpu.sem_alloc : memref<!tpu.dma_semaphore, #tpu.memory_space<semaphore_mem>>
      %dma_start3A_76 = arith.constant 0 : i32
      %dma_start3A_77 = tpu.memref_slice %arg5[%arg0, %mul3A_75, %dma_start3A_76] : memref<2x10240x96xf32, #tpu.memory_space<hbm>> -> memref<1x640x96xf32, #tpu.memory_space<hbm>>
      %dma_start3A_78 = tpu.memref_squeeze %dma_start3A_77 : memref<1x640x96xf32, #tpu.memory_space<hbm>> -> memref<640x96xf32, #tpu.memory_space<hbm>>
      %dma_start3A_79 = arith.constant 0 : i32
      %dma_start3A_80 = tpu.memref_slice %arg11[%mul3A_73, %dma_start3A_79] : memref<10240x96xf32, #tpu.memory_space<vmem_shared>> -> memref<640x96xf32, #tpu.memory_space<vmem_shared>>
      tpu.enqueue_dma source(%dma_start3A_80 : memref<640x96xf32, #tpu.memory_space<vmem_shared>>) target(%dma_start3A_78 : memref<640x96xf32, #tpu.memory_space<hbm>>) target_semaphore(%run_scoped3A : memref<!tpu.dma_semaphore, #tpu.memory_space<semaphore_mem>>)
      %dma_wait3A_81 = arith.constant 0 : i32
      %dma_wait3A_82 = tpu.memref_slice %arg5[%arg0, %mul3A_75, %dma_wait3A_81] : memref<2x10240x96xf32, #tpu.memory_space<hbm>> -> memref<1x640x96xf32, #tpu.memory_space<hbm>>
      %dma_wait3A_83 = tpu.memref_squeeze %dma_wait3A_82 : memref<1x640x96xf32, #tpu.memory_space<hbm>> -> memref<640x96xf32, #tpu.memory_space<hbm>>
      %dma_wait3A_84 = arith.constant 0 : i32
      %dma_wait3A_85 = tpu.memref_slice %arg11[%mul3A_73, %dma_wait3A_84] : memref<10240x96xf32, #tpu.memory_space<vmem_shared>> -> memref<640x96xf32, #tpu.memory_space<vmem_shared>>
      tpu.wait_dma2 semaphore(%run_scoped3A : memref<!tpu.dma_semaphore, #tpu.memory_space<semaphore_mem>>) src(%dma_wait3A_85 : memref<640x96xf32, #tpu.memory_space<vmem_shared>>) dst(%dma_wait3A_83 : memref<640x96xf32, #tpu.memory_space<hbm>>)
      tpu.yield
    }) : () -> ()
    return
  }
}

#map = affine_map<(d0, d1) -> (0, 0)>
#map1 = affine_map<(d0, d1) -> (0, 0, 0, 0)>
#map2 = affine_map<(d0, d1) -> (0, 0, 0)>
module attributes {stable_mosaic.version = 14 : i64} {
  func.func @_agg(%arg0: i32, %arg1: i32, %arg2: memref<10000x96xf32, #tpu.memory_space<hbm>>, %arg3: memref<2x16x80x125xi32, #tpu.memory_space<hbm>>, %arg4: memref<2x16x80x125xi32, #tpu.memory_space<hbm>>, %arg5: memref<2x10240x96xf32, #tpu.memory_space<hbm>>, %arg6: memref<80x125xi32, #tpu.memory_space<vmem>>, %arg7: memref<80x125xi32, #tpu.memory_space<vmem>>, %arg8: memref<125x96xf32, #tpu.memory_space<vmem>>, %arg9: memref<125x96xf32, #tpu.memory_space<vmem>>, %arg10: memref<64x96xf32, #tpu.memory_space<vmem>>, %arg11: memref<10240x96xf32, #tpu.memory_space<vmem_shared>>, %arg12: memref<!tpu.dma_semaphore, #tpu.memory_space<semaphore_mem>>, %arg13: memref<!tpu.dma_semaphore, #tpu.memory_space<semaphore_mem>>, %arg14: memref<!tpu.dma_semaphore, #tpu.memory_space<semaphore_mem>>) attributes {dimension_semantics = [#tpu.dimension_semantics<core_parallel>, #tpu.dimension_semantics<subcore_parallel>], iteration_bounds = array<i64: 2, 16>, scalar_prefetch = 0 : i64, scratch_operands = 9 : i64, tpu.core_type = #tpu.core_type<sc_vector_subcore>, window_params = [{transform_indices = #map}, {transform_indices = #map1}, {transform_indices = #map1}, {transform_indices = #map2}]} {
    "tpu.region"() ({
      %run_scoped3A = tpu.sem_alloc : memref<!tpu.dma_semaphore, #tpu.memory_space<semaphore_mem>>
      %dma_start3A_76 = arith.constant 0 : i32
      %dma_start3A_77 = arith.constant 0 : i32
      %dma_start3A_78 = tpu.memref_slice %arg3[%arg0, %arg1, %dma_start3A_76, %dma_start3A_77] : memref<2x16x80x125xi32, #tpu.memory_space<hbm>> -> memref<1x1x80x125xi32, #tpu.memory_space<hbm>>
      %dma_start3A_79 = tpu.memref_squeeze %dma_start3A_78 : memref<1x1x80x125xi32, #tpu.memory_space<hbm>> -> memref<80x125xi32, #tpu.memory_space<hbm>>
      %dma_start3A_80 = arith.constant 0 : i32
      %dma_start3A_81 = arith.constant 0 : i32
      %dma_start3A_82 = tpu.memref_slice %arg3[%arg0, %arg1, %dma_start3A_80, %dma_start3A_81] : memref<2x16x80x125xi32, #tpu.memory_space<hbm>> -> memref<1x1x80x125xi32, #tpu.memory_space<hbm>>
      %dma_start3A_83 = tpu.memref_squeeze %dma_start3A_82 : memref<1x1x80x125xi32, #tpu.memory_space<hbm>> -> memref<80x125xi32, #tpu.memory_space<hbm>>
      tpu.enqueue_dma source(%dma_start3A_83 : memref<80x125xi32, #tpu.memory_space<hbm>>) target(%arg6 : memref<80x125xi32, #tpu.memory_space<vmem>>) target_semaphore(%run_scoped3A : memref<!tpu.dma_semaphore, #tpu.memory_space<semaphore_mem>>)
      %dma_wait3A_84 = arith.constant 0 : i32
      %dma_wait3A_85 = arith.constant 0 : i32
      %dma_wait3A_86 = tpu.memref_slice %arg3[%arg0, %arg1, %dma_wait3A_84, %dma_wait3A_85] : memref<2x16x80x125xi32, #tpu.memory_space<hbm>> -> memref<1x1x80x125xi32, #tpu.memory_space<hbm>>
      %dma_wait3A_87 = tpu.memref_squeeze %dma_wait3A_86 : memref<1x1x80x125xi32, #tpu.memory_space<hbm>> -> memref<80x125xi32, #tpu.memory_space<hbm>>
      %dma_wait3A_88 = arith.constant 0 : i32
      %dma_wait3A_89 = arith.constant 0 : i32
      %dma_wait3A_90 = tpu.memref_slice %arg3[%arg0, %arg1, %dma_wait3A_88, %dma_wait3A_89] : memref<2x16x80x125xi32, #tpu.memory_space<hbm>> -> memref<1x1x80x125xi32, #tpu.memory_space<hbm>>
      %dma_wait3A_91 = tpu.memref_squeeze %dma_wait3A_90 : memref<1x1x80x125xi32, #tpu.memory_space<hbm>> -> memref<80x125xi32, #tpu.memory_space<hbm>>
      tpu.wait_dma2 semaphore(%run_scoped3A : memref<!tpu.dma_semaphore, #tpu.memory_space<semaphore_mem>>) src(%dma_wait3A_91 : memref<80x125xi32, #tpu.memory_space<hbm>>) dst(%arg6 : memref<80x125xi32, #tpu.memory_space<vmem>>)
      tpu.yield
    }) : () -> ()
    "tpu.region"() ({
      %run_scoped3A = tpu.sem_alloc : memref<!tpu.dma_semaphore, #tpu.memory_space<semaphore_mem>>
      %dma_start3A_76 = arith.constant 0 : i32
      %dma_start3A_77 = arith.constant 0 : i32
      %dma_start3A_78 = tpu.memref_slice %arg4[%arg0, %arg1, %dma_start3A_76, %dma_start3A_77] : memref<2x16x80x125xi32, #tpu.memory_space<hbm>> -> memref<1x1x80x125xi32, #tpu.memory_space<hbm>>
      %dma_start3A_79 = tpu.memref_squeeze %dma_start3A_78 : memref<1x1x80x125xi32, #tpu.memory_space<hbm>> -> memref<80x125xi32, #tpu.memory_space<hbm>>
      %dma_start3A_80 = arith.constant 0 : i32
      %dma_start3A_81 = arith.constant 0 : i32
      %dma_start3A_82 = tpu.memref_slice %arg4[%arg0, %arg1, %dma_start3A_80, %dma_start3A_81] : memref<2x16x80x125xi32, #tpu.memory_space<hbm>> -> memref<1x1x80x125xi32, #tpu.memory_space<hbm>>
      %dma_start3A_83 = tpu.memref_squeeze %dma_start3A_82 : memref<1x1x80x125xi32, #tpu.memory_space<hbm>> -> memref<80x125xi32, #tpu.memory_space<hbm>>
      tpu.enqueue_dma source(%dma_start3A_83 : memref<80x125xi32, #tpu.memory_space<hbm>>) target(%arg7 : memref<80x125xi32, #tpu.memory_space<vmem>>) target_semaphore(%run_scoped3A : memref<!tpu.dma_semaphore, #tpu.memory_space<semaphore_mem>>)
      %dma_wait3A_84 = arith.constant 0 : i32
      %dma_wait3A_85 = arith.constant 0 : i32
      %dma_wait3A_86 = tpu.memref_slice %arg4[%arg0, %arg1, %dma_wait3A_84, %dma_wait3A_85] : memref<2x16x80x125xi32, #tpu.memory_space<hbm>> -> memref<1x1x80x125xi32, #tpu.memory_space<hbm>>
      %dma_wait3A_87 = tpu.memref_squeeze %dma_wait3A_86 : memref<1x1x80x125xi32, #tpu.memory_space<hbm>> -> memref<80x125xi32, #tpu.memory_space<hbm>>
      %dma_wait3A_88 = arith.constant 0 : i32
      %dma_wait3A_89 = arith.constant 0 : i32
      %dma_wait3A_90 = tpu.memref_slice %arg4[%arg0, %arg1, %dma_wait3A_88, %dma_wait3A_89] : memref<2x16x80x125xi32, #tpu.memory_space<hbm>> -> memref<1x1x80x125xi32, #tpu.memory_space<hbm>>
      %dma_wait3A_91 = tpu.memref_squeeze %dma_wait3A_90 : memref<1x1x80x125xi32, #tpu.memory_space<hbm>> -> memref<80x125xi32, #tpu.memory_space<hbm>>
      tpu.wait_dma2 semaphore(%run_scoped3A : memref<!tpu.dma_semaphore, #tpu.memory_space<semaphore_mem>>) src(%dma_wait3A_91 : memref<80x125xi32, #tpu.memory_space<hbm>>) dst(%arg7 : memref<80x125xi32, #tpu.memory_space<vmem>>)
      tpu.yield
    }) : () -> ()
    %broadcast_in_dim3A = arith.constant 0.000000e+00 : f32
    %broadcast_in_dim3A_0 = vector.broadcast %broadcast_in_dim3A : f32 to vector<16xf32>
    %scan3A = arith.constant 0 : i32
    %scan3A_1 = arith.constant 0 : i32
    %scan3A_2 = arith.constant 64 : i32
    %scan3A_3 = arith.addi %scan3A_1, %scan3A_2 : i32
    %scan3A_4 = arith.constant 1 : i32
    scf.for %scan3A_76 = %scan3A_1 to %scan3A_3 step %scan3A_4  : i32 {
      %swap3A = arith.index_cast %scan3A_76 : i32 to index
      %swap3A_77 = arith.constant 0 : index
      %swap3A_78 = tpu.vector_load %arg10[%swap3A, %swap3A_77] {strides = array<i32>} : memref<64x96xf32, #tpu.memory_space<vmem>>, vector<16xf32>,
      tpu.vector_store %arg10[%swap3A, %swap3A_77], %broadcast_in_dim3A_0 {strides = array<i32>} : memref<64x96xf32, #tpu.memory_space<vmem>>, vector<16xf32>,
      %swap3A_79 = arith.index_cast %scan3A_76 : i32 to index
      %swap3A_80 = arith.constant 16 : index
      %swap3A_81 = tpu.vector_load %arg10[%swap3A_79, %swap3A_80] {strides = array<i32>} : memref<64x96xf32, #tpu.memory_space<vmem>>, vector<16xf32>,
      tpu.vector_store %arg10[%swap3A_79, %swap3A_80], %broadcast_in_dim3A_0 {strides = array<i32>} : memref<64x96xf32, #tpu.memory_space<vmem>>, vector<16xf32>,
      %swap3A_82 = arith.index_cast %scan3A_76 : i32 to index
      %swap3A_83 = arith.constant 32 : index
      %swap3A_84 = tpu.vector_load %arg10[%swap3A_82, %swap3A_83] {strides = array<i32>} : memref<64x96xf32, #tpu.memory_space<vmem>>, vector<16xf32>,
      tpu.vector_store %arg10[%swap3A_82, %swap3A_83], %broadcast_in_dim3A_0 {strides = array<i32>} : memref<64x96xf32, #tpu.memory_space<vmem>>, vector<16xf32>,
      %swap3A_85 = arith.index_cast %scan3A_76 : i32 to index
      %swap3A_86 = arith.constant 48 : index
      %swap3A_87 = tpu.vector_load %arg10[%swap3A_85, %swap3A_86] {strides = array<i32>} : memref<64x96xf32, #tpu.memory_space<vmem>>, vector<16xf32>,
      tpu.vector_store %arg10[%swap3A_85, %swap3A_86], %broadcast_in_dim3A_0 {strides = array<i32>} : memref<64x96xf32, #tpu.memory_space<vmem>>, vector<16xf32>,
      %swap3A_88 = arith.index_cast %scan3A_76 : i32 to index
      %swap3A_89 = arith.constant 64 : index
      %swap3A_90 = tpu.vector_load %arg10[%swap3A_88, %swap3A_89] {strides = array<i32>} : memref<64x96xf32, #tpu.memory_space<vmem>>, vector<16xf32>,
      tpu.vector_store %arg10[%swap3A_88, %swap3A_89], %broadcast_in_dim3A_0 {strides = array<i32>} : memref<64x96xf32, #tpu.memory_space<vmem>>, vector<16xf32>,
      %swap3A_91 = arith.index_cast %scan3A_76 : i32 to index
      %swap3A_92 = arith.constant 80 : index
      %swap3A_93 = tpu.vector_load %arg10[%swap3A_91, %swap3A_92] {strides = array<i32>} : memref<64x96xf32, #tpu.memory_space<vmem>>, vector<16xf32>,
      tpu.vector_store %arg10[%swap3A_91, %swap3A_92], %broadcast_in_dim3A_0 {strides = array<i32>} : memref<64x96xf32, #tpu.memory_space<vmem>>, vector<16xf32>,
    }
    %scan3A_5 = arith.constant 64 : i32
    %scan3A_6 = arith.constant 0 : i32
    %scan3A_7 = arith.constant 0 : i32
    %scan3A_8 = arith.constant 10 : i32
    %scan3A_9 = arith.addi %scan3A_7, %scan3A_8 : i32
    %scan3A_10 = arith.constant 1 : i32
    scf.for %scan3A_76 = %scan3A_7 to %scan3A_9 step %scan3A_10  : i32 {
      %mul3A_77 = arith.constant 640 : i32
      %mul3A_78 = arith.muli %arg1, %mul3A_77 : i32
      %mul3A_79 = arith.constant 64 : i32
      %mul3A_80 = arith.muli %scan3A_76, %mul3A_79 : i32
      %add3A = arith.addi %mul3A_78, %mul3A_80 : i32
      "tpu.region"() ({
        %run_scoped3A = tpu.sem_alloc : memref<!tpu.dma_semaphore, #tpu.memory_space<semaphore_mem>>
        %dma_start3A_81 = arith.constant 0 : i32
        %dma_start3A_82 = tpu.memref_slice %arg11[%add3A, %dma_start3A_81] : memref<10240x96xf32, #tpu.memory_space<vmem_shared>> -> memref<64x96xf32, #tpu.memory_space<vmem_shared>>
        %dma_start3A_83 = arith.constant 0 : i32
        %dma_start3A_84 = tpu.memref_slice %arg11[%add3A, %dma_start3A_83] : memref<10240x96xf32, #tpu.memory_space<vmem_shared>> -> memref<64x96xf32, #tpu.memory_space<vmem_shared>>
        tpu.enqueue_dma source(%arg10 : memref<64x96xf32, #tpu.memory_space<vmem>>) target(%dma_start3A_84 : memref<64x96xf32, #tpu.memory_space<vmem_shared>>) target_semaphore(%run_scoped3A : memref<!tpu.dma_semaphore, #tpu.memory_space<semaphore_mem>>)
        %dma_wait3A_85 = arith.constant 0 : i32
        %dma_wait3A_86 = tpu.memref_slice %arg11[%add3A, %dma_wait3A_85] : memref<10240x96xf32, #tpu.memory_space<vmem_shared>> -> memref<64x96xf32, #tpu.memory_space<vmem_shared>>
        %dma_wait3A_87 = arith.constant 0 : i32
        %dma_wait3A_88 = tpu.memref_slice %arg11[%add3A, %dma_wait3A_87] : memref<10240x96xf32, #tpu.memory_space<vmem_shared>> -> memref<64x96xf32, #tpu.memory_space<vmem_shared>>
        tpu.wait_dma2 semaphore(%run_scoped3A : memref<!tpu.dma_semaphore, #tpu.memory_space<semaphore_mem>>) src(%arg10 : memref<64x96xf32, #tpu.memory_space<vmem>>) dst(%dma_wait3A_88 : memref<64x96xf32, #tpu.memory_space<vmem_shared>>)
        tpu.yield
      }) : () -> ()
    }
    %scan3A_11 = arith.constant 10 : i32
    %barrier3A = arith.constant 0 : index
    tpu.barrier barrier_id(%barrier3A)
    %dma_start3A = arith.constant 0 : i32
    %dma_start3A_12 = arith.constant 0 : i32
    %dma_start3A_13 = tpu.memref_slice %arg6[%dma_start3A, %dma_start3A_12] : memref<80x125xi32, #tpu.memory_space<vmem>> -> memref<1x125xi32, #tpu.memory_space<vmem>>
    %dma_start3A_14 = tpu.memref_squeeze %dma_start3A_13 : memref<1x125xi32, #tpu.memory_space<vmem>> -> memref<125xi32, #tpu.memory_space<vmem>>
    %dma_start3A_15 = arith.constant 0 : i32
    %dma_start3A_16 = arith.constant 0 : i32
    %dma_start3A_17 = tpu.memref_slice %arg2[%dma_start3A_15, %dma_start3A_16] : memref<10000x96xf32, #tpu.memory_space<hbm>> -> memref<10000x96xf32, #tpu.memory_space<hbm>>
    tpu.enqueue_indirect_dma source(%dma_start3A_17 : memref<10000x96xf32, #tpu.memory_space<hbm>>) target(%arg8 : memref<125x96xf32, #tpu.memory_space<vmem>>) offsets(%dma_start3A_14 : memref<125xi32, #tpu.memory_space<vmem>>) semaphore(%arg12 : memref<!tpu.dma_semaphore, #tpu.memory_space<semaphore_mem>>)
    %dma_wait3A = arith.constant 0 : i32
    %dma_wait3A_18 = arith.constant 0 : i32
    %dma_wait3A_19 = tpu.memref_slice %arg6[%dma_wait3A, %dma_wait3A_18] : memref<80x125xi32, #tpu.memory_space<vmem>> -> memref<1x125xi32, #tpu.memory_space<vmem>>
    %dma_wait3A_20 = tpu.memref_squeeze %dma_wait3A_19 : memref<1x125xi32, #tpu.memory_space<vmem>> -> memref<125xi32, #tpu.memory_space<vmem>>
    %dma_wait3A_21 = arith.constant 0 : i32
    %dma_wait3A_22 = arith.constant 0 : i32
    %dma_wait3A_23 = tpu.memref_slice %arg2[%dma_wait3A_21, %dma_wait3A_22] : memref<10000x96xf32, #tpu.memory_space<hbm>> -> memref<10000x96xf32, #tpu.memory_space<hbm>>
    tpu.wait_indirect_dma semaphore(%arg12 : memref<!tpu.dma_semaphore, #tpu.memory_space<semaphore_mem>>) src(%dma_wait3A_23 : memref<10000x96xf32, #tpu.memory_space<hbm>>) dst(%arg8 : memref<125x96xf32, #tpu.memory_space<vmem>>)
    %dma_start3A_24 = arith.constant 0 : i32
    %dma_start3A_25 = arith.constant 0 : i32
    %dma_start3A_26 = tpu.memref_slice %arg7[%dma_start3A_24, %dma_start3A_25] : memref<80x125xi32, #tpu.memory_space<vmem>> -> memref<1x125xi32, #tpu.memory_space<vmem>>
    %dma_start3A_27 = tpu.memref_squeeze %dma_start3A_26 : memref<1x125xi32, #tpu.memory_space<vmem>> -> memref<125xi32, #tpu.memory_space<vmem>>
    %dma_start3A_28 = arith.constant 0 : i32
    %dma_start3A_29 = arith.constant 0 : i32
    %dma_start3A_30 = tpu.memref_slice %arg11[%dma_start3A_28, %dma_start3A_29] : memref<10240x96xf32, #tpu.memory_space<vmem_shared>> -> memref<10240x96xf32, #tpu.memory_space<vmem_shared>>
    tpu.enqueue_indirect_dma source(%arg8 : memref<125x96xf32, #tpu.memory_space<vmem>>) target(%dma_start3A_30 : memref<10240x96xf32, #tpu.memory_space<vmem_shared>>) offsets(%dma_start3A_27 : memref<125xi32, #tpu.memory_space<vmem>>) semaphore(%arg13 : memref<!tpu.dma_semaphore, #tpu.memory_space<semaphore_mem>>) {add = true}
    %dma_start3A_31 = arith.constant 1 : i32
    %dma_start3A_32 = arith.constant 0 : i32
    %dma_start3A_33 = tpu.memref_slice %arg6[%dma_start3A_31, %dma_start3A_32] : memref<80x125xi32, #tpu.memory_space<vmem>> -> memref<1x125xi32, #tpu.memory_space<vmem>>
    %dma_start3A_34 = tpu.memref_squeeze %dma_start3A_33 : memref<1x125xi32, #tpu.memory_space<vmem>> -> memref<125xi32, #tpu.memory_space<vmem>>
    %dma_start3A_35 = arith.constant 0 : i32
    %dma_start3A_36 = arith.constant 0 : i32
    %dma_start3A_37 = tpu.memref_slice %arg2[%dma_start3A_35, %dma_start3A_36] : memref<10000x96xf32, #tpu.memory_space<hbm>> -> memref<10000x96xf32, #tpu.memory_space<hbm>>
    tpu.enqueue_indirect_dma source(%dma_start3A_37 : memref<10000x96xf32, #tpu.memory_space<hbm>>) target(%arg9 : memref<125x96xf32, #tpu.memory_space<vmem>>) offsets(%dma_start3A_34 : memref<125xi32, #tpu.memory_space<vmem>>) semaphore(%arg12 : memref<!tpu.dma_semaphore, #tpu.memory_space<semaphore_mem>>)
    %dma_wait3A_38 = arith.constant 1 : i32
    %dma_wait3A_39 = arith.constant 0 : i32
    %dma_wait3A_40 = tpu.memref_slice %arg6[%dma_wait3A_38, %dma_wait3A_39] : memref<80x125xi32, #tpu.memory_space<vmem>> -> memref<1x125xi32, #tpu.memory_space<vmem>>
    %dma_wait3A_41 = tpu.memref_squeeze %dma_wait3A_40 : memref<1x125xi32, #tpu.memory_space<vmem>> -> memref<125xi32, #tpu.memory_space<vmem>>
    %dma_wait3A_42 = arith.constant 0 : i32
    %dma_wait3A_43 = arith.constant 0 : i32
    %dma_wait3A_44 = tpu.memref_slice %arg2[%dma_wait3A_42, %dma_wait3A_43] : memref<10000x96xf32, #tpu.memory_space<hbm>> -> memref<10000x96xf32, #tpu.memory_space<hbm>>
    tpu.wait_indirect_dma semaphore(%arg12 : memref<!tpu.dma_semaphore, #tpu.memory_space<semaphore_mem>>) src(%dma_wait3A_44 : memref<10000x96xf32, #tpu.memory_space<hbm>>) dst(%arg9 : memref<125x96xf32, #tpu.memory_space<vmem>>)
    %dma_start3A_45 = arith.constant 1 : i32
    %dma_start3A_46 = arith.constant 0 : i32
    %dma_start3A_47 = tpu.memref_slice %arg7[%dma_start3A_45, %dma_start3A_46] : memref<80x125xi32, #tpu.memory_space<vmem>> -> memref<1x125xi32, #tpu.memory_space<vmem>>
    %dma_start3A_48 = tpu.memref_squeeze %dma_start3A_47 : memref<1x125xi32, #tpu.memory_space<vmem>> -> memref<125xi32, #tpu.memory_space<vmem>>
    %dma_start3A_49 = arith.constant 0 : i32
    %dma_start3A_50 = arith.constant 0 : i32
    %dma_start3A_51 = tpu.memref_slice %arg11[%dma_start3A_49, %dma_start3A_50] : memref<10240x96xf32, #tpu.memory_space<vmem_shared>> -> memref<10240x96xf32, #tpu.memory_space<vmem_shared>>
    tpu.enqueue_indirect_dma source(%arg9 : memref<125x96xf32, #tpu.memory_space<vmem>>) target(%dma_start3A_51 : memref<10240x96xf32, #tpu.memory_space<vmem_shared>>) offsets(%dma_start3A_48 : memref<125xi32, #tpu.memory_space<vmem>>) semaphore(%arg14 : memref<!tpu.dma_semaphore, #tpu.memory_space<semaphore_mem>>) {add = true}
    %scan3A_52 = arith.constant 0 : i32
    %scan3A_53 = arith.constant 1 : i32
    %scan3A_54 = arith.constant 39 : i32
    %scan3A_55 = arith.addi %scan3A_53, %scan3A_54 : i32
    %scan3A_56 = arith.constant 1 : i32
    scf.for %scan3A_76 = %scan3A_53 to %scan3A_55 step %scan3A_56  : i32 {
      %mul3A_77 = arith.constant 2 : i32
      %mul3A_78 = arith.muli %mul3A_77, %scan3A_76 : i32
      %add3A = arith.constant 0 : i32
      %add3A_79 = arith.addi %mul3A_78, %add3A : i32
      %sub3A = arith.constant 2 : i32
      %sub3A_80 = arith.subi %add3A_79, %sub3A : i32
      %dma_wait3A_81 = arith.constant 0 : i32
      %dma_wait3A_82 = tpu.memref_slice %arg7[%sub3A_80, %dma_wait3A_81] : memref<80x125xi32, #tpu.memory_space<vmem>> -> memref<1x125xi32, #tpu.memory_space<vmem>>
      %dma_wait3A_83 = tpu.memref_squeeze %dma_wait3A_82 : memref<1x125xi32, #tpu.memory_space<vmem>> -> memref<125xi32, #tpu.memory_space<vmem>>
      %dma_wait3A_84 = arith.constant 0 : i32
      %dma_wait3A_85 = arith.constant 0 : i32
      %dma_wait3A_86 = tpu.memref_slice %arg11[%dma_wait3A_84, %dma_wait3A_85] : memref<10240x96xf32, #tpu.memory_space<vmem_shared>> -> memref<10240x96xf32, #tpu.memory_space<vmem_shared>>
      tpu.wait_indirect_dma semaphore(%arg13 : memref<!tpu.dma_semaphore, #tpu.memory_space<semaphore_mem>>) src(%arg8 : memref<125x96xf32, #tpu.memory_space<vmem>>) dst(%dma_wait3A_86 : memref<10240x96xf32, #tpu.memory_space<vmem_shared>>)
      %dma_start3A_87 = arith.constant 0 : i32
      %dma_start3A_88 = tpu.memref_slice %arg6[%add3A_79, %dma_start3A_87] : memref<80x125xi32, #tpu.memory_space<vmem>> -> memref<1x125xi32, #tpu.memory_space<vmem>>
      %dma_start3A_89 = tpu.memref_squeeze %dma_start3A_88 : memref<1x125xi32, #tpu.memory_space<vmem>> -> memref<125xi32, #tpu.memory_space<vmem>>
      %dma_start3A_90 = arith.constant 0 : i32
      %dma_start3A_91 = arith.constant 0 : i32
      %dma_start3A_92 = tpu.memref_slice %arg2[%dma_start3A_90, %dma_start3A_91] : memref<10000x96xf32, #tpu.memory_space<hbm>> -> memref<10000x96xf32, #tpu.memory_space<hbm>>
      tpu.enqueue_indirect_dma source(%dma_start3A_92 : memref<10000x96xf32, #tpu.memory_space<hbm>>) target(%arg8 : memref<125x96xf32, #tpu.memory_space<vmem>>) offsets(%dma_start3A_89 : memref<125xi32, #tpu.memory_space<vmem>>) semaphore(%arg12 : memref<!tpu.dma_semaphore, #tpu.memory_space<semaphore_mem>>)
      %dma_wait3A_93 = arith.constant 0 : i32
      %dma_wait3A_94 = tpu.memref_slice %arg6[%add3A_79, %dma_wait3A_93] : memref<80x125xi32, #tpu.memory_space<vmem>> -> memref<1x125xi32, #tpu.memory_space<vmem>>
      %dma_wait3A_95 = tpu.memref_squeeze %dma_wait3A_94 : memref<1x125xi32, #tpu.memory_space<vmem>> -> memref<125xi32, #tpu.memory_space<vmem>>
      %dma_wait3A_96 = arith.constant 0 : i32
      %dma_wait3A_97 = arith.constant 0 : i32
      %dma_wait3A_98 = tpu.memref_slice %arg2[%dma_wait3A_96, %dma_wait3A_97] : memref<10000x96xf32, #tpu.memory_space<hbm>> -> memref<10000x96xf32, #tpu.memory_space<hbm>>
      tpu.wait_indirect_dma semaphore(%arg12 : memref<!tpu.dma_semaphore, #tpu.memory_space<semaphore_mem>>) src(%dma_wait3A_98 : memref<10000x96xf32, #tpu.memory_space<hbm>>) dst(%arg8 : memref<125x96xf32, #tpu.memory_space<vmem>>)
      %dma_start3A_99 = arith.constant 0 : i32
      %dma_start3A_100 = tpu.memref_slice %arg7[%add3A_79, %dma_start3A_99] : memref<80x125xi32, #tpu.memory_space<vmem>> -> memref<1x125xi32, #tpu.memory_space<vmem>>
      %dma_start3A_101 = tpu.memref_squeeze %dma_start3A_100 : memref<1x125xi32, #tpu.memory_space<vmem>> -> memref<125xi32, #tpu.memory_space<vmem>>
      %dma_start3A_102 = arith.constant 0 : i32
      %dma_start3A_103 = arith.constant 0 : i32
      %dma_start3A_104 = tpu.memref_slice %arg11[%dma_start3A_102, %dma_start3A_103] : memref<10240x96xf32, #tpu.memory_space<vmem_shared>> -> memref<10240x96xf32, #tpu.memory_space<vmem_shared>>
      tpu.enqueue_indirect_dma source(%arg8 : memref<125x96xf32, #tpu.memory_space<vmem>>) target(%dma_start3A_104 : memref<10240x96xf32, #tpu.memory_space<vmem_shared>>) offsets(%dma_start3A_101 : memref<125xi32, #tpu.memory_space<vmem>>) semaphore(%arg13 : memref<!tpu.dma_semaphore, #tpu.memory_space<semaphore_mem>>) {add = true}
      %mul3A_105 = arith.constant 2 : i32
      %mul3A_106 = arith.muli %mul3A_105, %scan3A_76 : i32
      %add3A_107 = arith.constant 1 : i32
      %add3A_108 = arith.addi %mul3A_106, %add3A_107 : i32
      %sub3A_109 = arith.constant 2 : i32
      %sub3A_110 = arith.subi %add3A_108, %sub3A_109 : i32
      %dma_wait3A_111 = arith.constant 0 : i32
      %dma_wait3A_112 = tpu.memref_slice %arg7[%sub3A_110, %dma_wait3A_111] : memref<80x125xi32, #tpu.memory_space<vmem>> -> memref<1x125xi32, #tpu.memory_space<vmem>>
      %dma_wait3A_113 = tpu.memref_squeeze %dma_wait3A_112 : memref<1x125xi32, #tpu.memory_space<vmem>> -> memref<125xi32, #tpu.memory_space<vmem>>
      %dma_wait3A_114 = arith.constant 0 : i32
      %dma_wait3A_115 = arith.constant 0 : i32
      %dma_wait3A_116 = tpu.memref_slice %arg11[%dma_wait3A_114, %dma_wait3A_115] : memref<10240x96xf32, #tpu.memory_space<vmem_shared>> -> memref<10240x96xf32, #tpu.memory_space<vmem_shared>>
      tpu.wait_indirect_dma semaphore(%arg14 : memref<!tpu.dma_semaphore, #tpu.memory_space<semaphore_mem>>) src(%arg9 : memref<125x96xf32, #tpu.memory_space<vmem>>) dst(%dma_wait3A_116 : memref<10240x96xf32, #tpu.memory_space<vmem_shared>>)
      %dma_start3A_117 = arith.constant 0 : i32
      %dma_start3A_118 = tpu.memref_slice %arg6[%add3A_108, %dma_start3A_117] : memref<80x125xi32, #tpu.memory_space<vmem>> -> memref<1x125xi32, #tpu.memory_space<vmem>>
      %dma_start3A_119 = tpu.memref_squeeze %dma_start3A_118 : memref<1x125xi32, #tpu.memory_space<vmem>> -> memref<125xi32, #tpu.memory_space<vmem>>
      %dma_start3A_120 = arith.constant 0 : i32
      %dma_start3A_121 = arith.constant 0 : i32
      %dma_start3A_122 = tpu.memref_slice %arg2[%dma_start3A_120, %dma_start3A_121] : memref<10000x96xf32, #tpu.memory_space<hbm>> -> memref<10000x96xf32, #tpu.memory_space<hbm>>
      tpu.enqueue_indirect_dma source(%dma_start3A_122 : memref<10000x96xf32, #tpu.memory_space<hbm>>) target(%arg9 : memref<125x96xf32, #tpu.memory_space<vmem>>) offsets(%dma_start3A_119 : memref<125xi32, #tpu.memory_space<vmem>>) semaphore(%arg12 : memref<!tpu.dma_semaphore, #tpu.memory_space<semaphore_mem>>)
      %dma_wait3A_123 = arith.constant 0 : i32
      %dma_wait3A_124 = tpu.memref_slice %arg6[%add3A_108, %dma_wait3A_123] : memref<80x125xi32, #tpu.memory_space<vmem>> -> memref<1x125xi32, #tpu.memory_space<vmem>>
      %dma_wait3A_125 = tpu.memref_squeeze %dma_wait3A_124 : memref<1x125xi32, #tpu.memory_space<vmem>> -> memref<125xi32, #tpu.memory_space<vmem>>
      %dma_wait3A_126 = arith.constant 0 : i32
      %dma_wait3A_127 = arith.constant 0 : i32
      %dma_wait3A_128 = tpu.memref_slice %arg2[%dma_wait3A_126, %dma_wait3A_127] : memref<10000x96xf32, #tpu.memory_space<hbm>> -> memref<10000x96xf32, #tpu.memory_space<hbm>>
      tpu.wait_indirect_dma semaphore(%arg12 : memref<!tpu.dma_semaphore, #tpu.memory_space<semaphore_mem>>) src(%dma_wait3A_128 : memref<10000x96xf32, #tpu.memory_space<hbm>>) dst(%arg9 : memref<125x96xf32, #tpu.memory_space<vmem>>)
      %dma_start3A_129 = arith.constant 0 : i32
      %dma_start3A_130 = tpu.memref_slice %arg7[%add3A_108, %dma_start3A_129] : memref<80x125xi32, #tpu.memory_space<vmem>> -> memref<1x125xi32, #tpu.memory_space<vmem>>
      %dma_start3A_131 = tpu.memref_squeeze %dma_start3A_130 : memref<1x125xi32, #tpu.memory_space<vmem>> -> memref<125xi32, #tpu.memory_space<vmem>>
      %dma_start3A_132 = arith.constant 0 : i32
      %dma_start3A_133 = arith.constant 0 : i32
      %dma_start3A_134 = tpu.memref_slice %arg11[%dma_start3A_132, %dma_start3A_133] : memref<10240x96xf32, #tpu.memory_space<vmem_shared>> -> memref<10240x96xf32, #tpu.memory_space<vmem_shared>>
      tpu.enqueue_indirect_dma source(%arg9 : memref<125x96xf32, #tpu.memory_space<vmem>>) target(%dma_start3A_134 : memref<10240x96xf32, #tpu.memory_space<vmem_shared>>) offsets(%dma_start3A_131 : memref<125xi32, #tpu.memory_space<vmem>>) semaphore(%arg14 : memref<!tpu.dma_semaphore, #tpu.memory_space<semaphore_mem>>) {add = true}
    }
    %scan3A_57 = arith.constant 39 : i32
    %dma_wait3A_58 = arith.constant 78 : i32
    %dma_wait3A_59 = arith.constant 0 : i32
    %dma_wait3A_60 = tpu.memref_slice %arg7[%dma_wait3A_58, %dma_wait3A_59] : memref<80x125xi32, #tpu.memory_space<vmem>> -> memref<1x125xi32, #tpu.memory_space<vmem>>
    %dma_wait3A_61 = tpu.memref_squeeze %dma_wait3A_60 : memref<1x125xi32, #tpu.memory_space<vmem>> -> memref<125xi32, #tpu.memory_space<vmem>>
    %dma_wait3A_62 = arith.constant 0 : i32
    %dma_wait3A_63 = arith.constant 0 : i32
    %dma_wait3A_64 = tpu.memref_slice %arg11[%dma_wait3A_62, %dma_wait3A_63] : memref<10240x96xf32, #tpu.memory_space<vmem_shared>> -> memref<10240x96xf32, #tpu.memory_space<vmem_shared>>
    tpu.wait_indirect_dma semaphore(%arg13 : memref<!tpu.dma_semaphore, #tpu.memory_space<semaphore_mem>>) src(%arg8 : memref<125x96xf32, #tpu.memory_space<vmem>>) dst(%dma_wait3A_64 : memref<10240x96xf32, #tpu.memory_space<vmem_shared>>)
    %dma_wait3A_65 = arith.constant 79 : i32
    %dma_wait3A_66 = arith.constant 0 : i32
    %dma_wait3A_67 = tpu.memref_slice %arg7[%dma_wait3A_65, %dma_wait3A_66] : memref<80x125xi32, #tpu.memory_space<vmem>> -> memref<1x125xi32, #tpu.memory_space<vmem>>
    %dma_wait3A_68 = tpu.memref_squeeze %dma_wait3A_67 : memref<1x125xi32, #tpu.memory_space<vmem>> -> memref<125xi32, #tpu.memory_space<vmem>>
    %dma_wait3A_69 = arith.constant 0 : i32
    %dma_wait3A_70 = arith.constant 0 : i32
    %dma_wait3A_71 = tpu.memref_slice %arg11[%dma_wait3A_69, %dma_wait3A_70] : memref<10240x96xf32, #tpu.memory_space<vmem_shared>> -> memref<10240x96xf32, #tpu.memory_space<vmem_shared>>
    tpu.wait_indirect_dma semaphore(%arg14 : memref<!tpu.dma_semaphore, #tpu.memory_space<semaphore_mem>>) src(%arg9 : memref<125x96xf32, #tpu.memory_space<vmem>>) dst(%dma_wait3A_71 : memref<10240x96xf32, #tpu.memory_space<vmem_shared>>)
    %barrier3A_72 = arith.constant 0 : index
    tpu.barrier barrier_id(%barrier3A_72)
    %mul3A = arith.constant 640 : i32
    %mul3A_73 = arith.muli %arg1, %mul3A : i32
    %mul3A_74 = arith.constant 640 : i32
    %mul3A_75 = arith.muli %arg1, %mul3A_74 : i32
    "tpu.region"() ({
      %run_scoped3A = tpu.sem_alloc : memref<!tpu.dma_semaphore, #tpu.memory_space<semaphore_mem>>
      %dma_start3A_76 = arith.constant 0 : i32
      %dma_start3A_77 = tpu.memref_slice %arg5[%arg0, %mul3A_75, %dma_start3A_76] : memref<2x10240x96xf32, #tpu.memory_space<hbm>> -> memref<1x640x96xf32, #tpu.memory_space<hbm>>
      %dma_start3A_78 = tpu.memref_squeeze %dma_start3A_77 : memref<1x640x96xf32, #tpu.memory_space<hbm>> -> memref<640x96xf32, #tpu.memory_space<hbm>>
      %dma_start3A_79 = arith.constant 0 : i32
      %dma_start3A_80 = tpu.memref_slice %arg11[%mul3A_73, %dma_start3A_79] : memref<10240x96xf32, #tpu.memory_space<vmem_shared>> -> memref<640x96xf32, #tpu.memory_space<vmem_shared>>
      tpu.enqueue_dma source(%dma_start3A_80 : memref<640x96xf32, #tpu.memory_space<vmem_shared>>) target(%dma_start3A_78 : memref<640x96xf32, #tpu.memory_space<hbm>>) target_semaphore(%run_scoped3A : memref<!tpu.dma_semaphore, #tpu.memory_space<semaphore_mem>>)
      %dma_wait3A_81 = arith.constant 0 : i32
      %dma_wait3A_82 = tpu.memref_slice %arg5[%arg0, %mul3A_75, %dma_wait3A_81] : memref<2x10240x96xf32, #tpu.memory_space<hbm>> -> memref<1x640x96xf32, #tpu.memory_space<hbm>>
      %dma_wait3A_83 = tpu.memref_squeeze %dma_wait3A_82 : memref<1x640x96xf32, #tpu.memory_space<hbm>> -> memref<640x96xf32, #tpu.memory_space<hbm>>
      %dma_wait3A_84 = arith.constant 0 : i32
      %dma_wait3A_85 = tpu.memref_slice %arg11[%mul3A_73, %dma_wait3A_84] : memref<10240x96xf32, #tpu.memory_space<vmem_shared>> -> memref<640x96xf32, #tpu.memory_space<vmem_shared>>
      tpu.wait_dma2 semaphore(%run_scoped3A : memref<!tpu.dma_semaphore, #tpu.memory_space<semaphore_mem>>) src(%dma_wait3A_85 : memref<640x96xf32, #tpu.memory_space<vmem_shared>>) dst(%dma_wait3A_83 : memref<640x96xf32, #tpu.memory_space<hbm>>)
      tpu.yield
    }) : () -> ()
    return
  }
}

module attributes {stable_mosaic.version = 14 : i64} {
  func.func @_emb_body(%arg0: memref<10000x128xf32, #tpu.memory_space<vmem>>, %arg1: memref<128x96xf32, #tpu.memory_space<vmem>>, %arg2: memref<1x96xf32, #tpu.memory_space<vmem>>, %arg3: memref<10000x96xf32, #tpu.memory_space<vmem>>) attributes {dimension_semantics = [], scalar_prefetch = 0 : i64, scratch_operands = 0 : i64, tpu.core_type = #tpu.core_type<tc>} {
    %get3A = arith.constant 0 : index
    %get3A_0 = arith.constant 0 : index
    %get3A_1 = vector.load %arg0[%get3A, %get3A_0] : memref<10000x128xf32, #tpu.memory_space<vmem>>, vector<10000x128xf32>
    %get3A_2 = arith.constant 0 : index
    %get3A_3 = arith.constant 0 : index
    %get3A_4 = vector.load %arg1[%get3A_2, %get3A_3] : memref<128x96xf32, #tpu.memory_space<vmem>>, vector<128x96xf32>
    %dot_general3A = arith.constant dense<0.000000e+00> : vector<10000x96xf32>
    %dot_general3A_5 = tpu.matmul %get3A_1, %get3A_4, %dot_general3A {dimension_numbers = #tpu.dot_dimension_numbers<[1], [0], [0], [1], [0, 0, 1, 1], [], []>, transpose_lhs_hint = false} : vector<10000x128xf32>, vector<128x96xf32>, vector<10000x96xf32> -> vector<10000x96xf32>
    %get3A_6 = arith.constant 0 : index
    %get3A_7 = arith.constant 0 : index
    %get3A_8 = vector.load %arg2[%get3A_6, %get3A_7] : memref<1x96xf32, #tpu.memory_space<vmem>>, vector<1x96xf32>
    %add3A = vector.broadcast %get3A_8 : vector<1x96xf32> to vector<10000x96xf32>
    %add3A_9 = arith.addf %dot_general3A_5, %add3A : vector<10000x96xf32>
    %swap3A = arith.constant 0 : index
    %swap3A_10 = arith.constant 0 : index
    %swap3A_11 = vector.load %arg3[%swap3A, %swap3A_10] : memref<10000x96xf32, #tpu.memory_space<vmem>>, vector<10000x96xf32>
    tpu.vector_store %arg3[%swap3A, %swap3A_10], %add3A_9 {strides = array<i32>} : memref<10000x96xf32, #tpu.memory_space<vmem>>, vector<10000x96xf32>,
    return
  }
}

module attributes {stable_mosaic.version = 14 : i64} {
  func.func @_gin_body(%arg0: memref<10000x96xf32, #tpu.memory_space<vmem>>, %arg1: memref<2x10240x96xf32, #tpu.memory_space<vmem>>, %arg2: memref<96x96xf32, #tpu.memory_space<vmem>>, %arg3: memref<1x96xf32, #tpu.memory_space<vmem>>, %arg4: memref<1x96xf32, #tpu.memory_space<vmem>>, %arg5: memref<1x96xf32, #tpu.memory_space<vmem>>, %arg6: memref<10000x96xf32, #tpu.memory_space<vmem>>) attributes {dimension_semantics = [], scalar_prefetch = 0 : i64, scratch_operands = 0 : i64, tpu.core_type = #tpu.core_type<tc>} {
    %get3A = arith.constant 0 : index
    %get3A_0 = arith.constant 0 : index
    %get3A_1 = vector.load %arg0[%get3A, %get3A_0] : memref<10000x96xf32, #tpu.memory_space<vmem>>, vector<10000x96xf32>
    %get3A_2 = arith.constant 0 : index
    %get3A_3 = arith.constant 0 : index
    %get3A_4 = arith.constant 0 : index
    %get3A_5 = vector.load %arg1[%get3A_2, %get3A_3, %get3A_4] : memref<2x10240x96xf32, #tpu.memory_space<vmem>>, vector<1x10000x96xf32>
    %get3A_6 = vector.shape_cast %get3A_5 : vector<1x10000x96xf32> to vector<10000x96xf32>
    %add3A = arith.addf %get3A_1, %get3A_6 : vector<10000x96xf32>
    %get3A_7 = arith.constant 1 : index
    %get3A_8 = arith.constant 0 : index
    %get3A_9 = arith.constant 0 : index
    %get3A_10 = vector.load %arg1[%get3A_7, %get3A_8, %get3A_9] : memref<2x10240x96xf32, #tpu.memory_space<vmem>>, vector<1x10000x96xf32>
    %get3A_11 = vector.shape_cast %get3A_10 : vector<1x10000x96xf32> to vector<10000x96xf32>
    %add3A_12 = arith.addf %add3A, %get3A_11 : vector<10000x96xf32>
    %get3A_13 = arith.constant 0 : index
    %get3A_14 = arith.constant 0 : index
    %get3A_15 = vector.load %arg2[%get3A_13, %get3A_14] : memref<96x96xf32, #tpu.memory_space<vmem>>, vector<96x96xf32>
    %dot_general3A = arith.constant dense<0.000000e+00> : vector<10000x96xf32>
    %dot_general3A_16 = tpu.matmul %add3A_12, %get3A_15, %dot_general3A {dimension_numbers = #tpu.dot_dimension_numbers<[1], [0], [0], [1], [0, 0, 1, 1], [], []>, transpose_lhs_hint = false} : vector<10000x96xf32>, vector<96x96xf32>, vector<10000x96xf32> -> vector<10000x96xf32>
    %get3A_17 = arith.constant 0 : index
    %get3A_18 = arith.constant 0 : index
    %get3A_19 = vector.load %arg3[%get3A_17, %get3A_18] : memref<1x96xf32, #tpu.memory_space<vmem>>, vector<1x96xf32>
    %add3A_20 = vector.broadcast %get3A_19 : vector<1x96xf32> to vector<10000x96xf32>
    %add3A_21 = arith.addf %dot_general3A_16, %add3A_20 : vector<10000x96xf32>
    %get3A_22 = arith.constant 0 : index
    %get3A_23 = arith.constant 0 : index
    %get3A_24 = vector.load %arg4[%get3A_22, %get3A_23] : memref<1x96xf32, #tpu.memory_space<vmem>>, vector<1x96xf32>
    %get3A_25 = arith.constant 0 : index
    %get3A_26 = arith.constant 0 : index
    %get3A_27 = vector.load %arg5[%get3A_25, %get3A_26] : memref<1x96xf32, #tpu.memory_space<vmem>>, vector<1x96xf32>
    %reduce_sum3A = arith.constant dense<0.000000e+00> : vector<96xf32>
    %reduce_sum3A_28 = vector.multi_reduction <add>, %add3A_21, %reduce_sum3A [0] : vector<10000x96xf32> to vector<96xf32>
    %broadcast_in_dim3A = vector.shape_cast %reduce_sum3A_28 : vector<96xf32> to vector<1x96xf32>
    %div3A = arith.constant 1.000000e+04 : f32
    %div3A_29 = vector.broadcast %div3A : f32 to vector<1x96xf32>
    %div3A_30 = arith.divf %broadcast_in_dim3A, %div3A_29 : vector<1x96xf32>
    %sub3A = vector.broadcast %div3A_30 : vector<1x96xf32> to vector<10000x96xf32>
    %sub3A_31 = arith.subf %add3A_21, %sub3A : vector<10000x96xf32>
    %integer_pow3A = arith.mulf %sub3A_31, %sub3A_31 : vector<10000x96xf32>
    %reduce_sum3A_32 = arith.constant dense<0.000000e+00> : vector<96xf32>
    %reduce_sum3A_33 = vector.multi_reduction <add>, %integer_pow3A, %reduce_sum3A_32 [0] : vector<10000x96xf32> to vector<96xf32>
    %broadcast_in_dim3A_34 = vector.shape_cast %reduce_sum3A_33 : vector<96xf32> to vector<1x96xf32>
    %div3A_35 = arith.constant 1.000000e+04 : f32
    %div3A_36 = vector.broadcast %div3A_35 : f32 to vector<1x96xf32>
    %div3A_37 = arith.divf %broadcast_in_dim3A_34, %div3A_36 : vector<1x96xf32>
    %sub3A_38 = vector.broadcast %div3A_30 : vector<1x96xf32> to vector<10000x96xf32>
    %sub3A_39 = arith.subf %add3A_21, %sub3A_38 : vector<10000x96xf32>
    %mul3A = vector.broadcast %get3A_24 : vector<1x96xf32> to vector<10000x96xf32>
    %mul3A_40 = arith.mulf %mul3A, %sub3A_39 : vector<10000x96xf32>
    %add3A_41 = arith.constant 9.99999974E-6 : f32
    %add3A_42 = vector.broadcast %add3A_41 : f32 to vector<1x96xf32>
    %add3A_43 = arith.addf %div3A_37, %add3A_42 : vector<1x96xf32>
    %rsqrt3A = math.rsqrt %add3A_43 : vector<1x96xf32>
    %mul3A_44 = vector.broadcast %rsqrt3A : vector<1x96xf32> to vector<10000x96xf32>
    %mul3A_45 = arith.mulf %mul3A_40, %mul3A_44 : vector<10000x96xf32>
    %add3A_46 = vector.broadcast %get3A_27 : vector<1x96xf32> to vector<10000x96xf32>
    %add3A_47 = arith.addf %mul3A_45, %add3A_46 : vector<10000x96xf32>
    %max3A = arith.constant 0.000000e+00 : f32
    %max3A_48 = vector.broadcast %max3A : f32 to vector<10000x96xf32>
    %max3A_49 = arith.maximumf %add3A_47, %max3A_48 : vector<10000x96xf32>
    %swap3A = arith.constant 0 : index
    %swap3A_50 = arith.constant 0 : index
    %swap3A_51 = vector.load %arg6[%swap3A, %swap3A_50] : memref<10000x96xf32, #tpu.memory_space<vmem>>, vector<10000x96xf32>
    tpu.vector_store %arg6[%swap3A, %swap3A_50], %max3A_49 {strides = array<i32>} : memref<10000x96xf32, #tpu.memory_space<vmem>>, vector<10000x96xf32>,
    return
  }
}

module attributes {stable_mosaic.version = 14 : i64} {
  func.func @_fin_body(%arg0: memref<10000x96xf32, #tpu.memory_space<vmem>>, %arg1: memref<2x10240x96xf32, #tpu.memory_space<vmem>>, %arg2: memref<96x96xf32, #tpu.memory_space<vmem>>, %arg3: memref<1x96xf32, #tpu.memory_space<vmem>>, %arg4: memref<1x96xf32, #tpu.memory_space<vmem>>, %arg5: memref<1x96xf32, #tpu.memory_space<vmem>>, %arg6: memref<96x40xf32, #tpu.memory_space<vmem>>, %arg7: memref<1x40xf32, #tpu.memory_space<vmem>>, %arg8: memref<10000x40xf32, #tpu.memory_space<vmem>>) attributes {dimension_semantics = [], scalar_prefetch = 0 : i64, scratch_operands = 0 : i64, tpu.core_type = #tpu.core_type<tc>} {
    %get3A = arith.constant 0 : index
    %get3A_0 = arith.constant 0 : index
    %get3A_1 = vector.load %arg0[%get3A, %get3A_0] : memref<10000x96xf32, #tpu.memory_space<vmem>>, vector<10000x96xf32>
    %get3A_2 = arith.constant 0 : index
    %get3A_3 = arith.constant 0 : index
    %get3A_4 = arith.constant 0 : index
    %get3A_5 = vector.load %arg1[%get3A_2, %get3A_3, %get3A_4] : memref<2x10240x96xf32, #tpu.memory_space<vmem>>, vector<1x10000x96xf32>
    %get3A_6 = vector.shape_cast %get3A_5 : vector<1x10000x96xf32> to vector<10000x96xf32>
    %add3A = arith.addf %get3A_1, %get3A_6 : vector<10000x96xf32>
    %get3A_7 = arith.constant 1 : index
    %get3A_8 = arith.constant 0 : index
    %get3A_9 = arith.constant 0 : index
    %get3A_10 = vector.load %arg1[%get3A_7, %get3A_8, %get3A_9] : memref<2x10240x96xf32, #tpu.memory_space<vmem>>, vector<1x10000x96xf32>
    %get3A_11 = vector.shape_cast %get3A_10 : vector<1x10000x96xf32> to vector<10000x96xf32>
    %add3A_12 = arith.addf %add3A, %get3A_11 : vector<10000x96xf32>
    %get3A_13 = arith.constant 0 : index
    %get3A_14 = arith.constant 0 : index
    %get3A_15 = vector.load %arg2[%get3A_13, %get3A_14] : memref<96x96xf32, #tpu.memory_space<vmem>>, vector<96x96xf32>
    %dot_general3A = arith.constant dense<0.000000e+00> : vector<10000x96xf32>
    %dot_general3A_16 = tpu.matmul %add3A_12, %get3A_15, %dot_general3A {dimension_numbers = #tpu.dot_dimension_numbers<[1], [0], [0], [1], [0, 0, 1, 1], [], []>, transpose_lhs_hint = false} : vector<10000x96xf32>, vector<96x96xf32>, vector<10000x96xf32> -> vector<10000x96xf32>
    %get3A_17 = arith.constant 0 : index
    %get3A_18 = arith.constant 0 : index
    %get3A_19 = vector.load %arg3[%get3A_17, %get3A_18] : memref<1x96xf32, #tpu.memory_space<vmem>>, vector<1x96xf32>
    %add3A_20 = vector.broadcast %get3A_19 : vector<1x96xf32> to vector<10000x96xf32>
    %add3A_21 = arith.addf %dot_general3A_16, %add3A_20 : vector<10000x96xf32>
    %get3A_22 = arith.constant 0 : index
    %get3A_23 = arith.constant 0 : index
    %get3A_24 = vector.load %arg4[%get3A_22, %get3A_23] : memref<1x96xf32, #tpu.memory_space<vmem>>, vector<1x96xf32>
    %get3A_25 = arith.constant 0 : index
    %get3A_26 = arith.constant 0 : index
    %get3A_27 = vector.load %arg5[%get3A_25, %get3A_26] : memref<1x96xf32, #tpu.memory_space<vmem>>, vector<1x96xf32>
    %reduce_sum3A = arith.constant dense<0.000000e+00> : vector<96xf32>
    %reduce_sum3A_28 = vector.multi_reduction <add>, %add3A_21, %reduce_sum3A [0] : vector<10000x96xf32> to vector<96xf32>
    %broadcast_in_dim3A = vector.shape_cast %reduce_sum3A_28 : vector<96xf32> to vector<1x96xf32>
    %div3A = arith.constant 1.000000e+04 : f32
    %div3A_29 = vector.broadcast %div3A : f32 to vector<1x96xf32>
    %div3A_30 = arith.divf %broadcast_in_dim3A, %div3A_29 : vector<1x96xf32>
    %sub3A = vector.broadcast %div3A_30 : vector<1x96xf32> to vector<10000x96xf32>
    %sub3A_31 = arith.subf %add3A_21, %sub3A : vector<10000x96xf32>
    %integer_pow3A = arith.mulf %sub3A_31, %sub3A_31 : vector<10000x96xf32>
    %reduce_sum3A_32 = arith.constant dense<0.000000e+00> : vector<96xf32>
    %reduce_sum3A_33 = vector.multi_reduction <add>, %integer_pow3A, %reduce_sum3A_32 [0] : vector<10000x96xf32> to vector<96xf32>
    %broadcast_in_dim3A_34 = vector.shape_cast %reduce_sum3A_33 : vector<96xf32> to vector<1x96xf32>
    %div3A_35 = arith.constant 1.000000e+04 : f32
    %div3A_36 = vector.broadcast %div3A_35 : f32 to vector<1x96xf32>
    %div3A_37 = arith.divf %broadcast_in_dim3A_34, %div3A_36 : vector<1x96xf32>
    %sub3A_38 = vector.broadcast %div3A_30 : vector<1x96xf32> to vector<10000x96xf32>
    %sub3A_39 = arith.subf %add3A_21, %sub3A_38 : vector<10000x96xf32>
    %mul3A = vector.broadcast %get3A_24 : vector<1x96xf32> to vector<10000x96xf32>
    %mul3A_40 = arith.mulf %mul3A, %sub3A_39 : vector<10000x96xf32>
    %add3A_41 = arith.constant 9.99999974E-6 : f32
    %add3A_42 = vector.broadcast %add3A_41 : f32 to vector<1x96xf32>
    %add3A_43 = arith.addf %div3A_37, %add3A_42 : vector<1x96xf32>
    %rsqrt3A = math.rsqrt %add3A_43 : vector<1x96xf32>
    %mul3A_44 = vector.broadcast %rsqrt3A : vector<1x96xf32> to vector<10000x96xf32>
    %mul3A_45 = arith.mulf %mul3A_40, %mul3A_44 : vector<10000x96xf32>
    %add3A_46 = vector.broadcast %get3A_27 : vector<1x96xf32> to vector<10000x96xf32>
    %add3A_47 = arith.addf %mul3A_45, %add3A_46 : vector<10000x96xf32>
    %max3A = arith.constant 0.000000e+00 : f32
    %max3A_48 = vector.broadcast %max3A : f32 to vector<10000x96xf32>
    %max3A_49 = arith.maximumf %add3A_47, %max3A_48 : vector<10000x96xf32>
    %get3A_50 = arith.constant 0 : index
    %get3A_51 = arith.constant 0 : index
    %get3A_52 = vector.load %arg6[%get3A_50, %get3A_51] : memref<96x40xf32, #tpu.memory_space<vmem>>, vector<96x40xf32>
    %dot_general3A_53 = arith.constant dense<0.000000e+00> : vector<10000x40xf32>
    %dot_general3A_54 = tpu.matmul %max3A_49, %get3A_52, %dot_general3A_53 {dimension_numbers = #tpu.dot_dimension_numbers<[1], [0], [0], [1], [0, 0, 1, 1], [], []>, transpose_lhs_hint = false} : vector<10000x96xf32>, vector<96x40xf32>, vector<10000x40xf32> -> vector<10000x40xf32>
    %get3A_55 = arith.constant 0 : index
    %get3A_56 = arith.constant 0 : index
    %get3A_57 = vector.load %arg7[%get3A_55, %get3A_56] : memref<1x40xf32, #tpu.memory_space<vmem>>, vector<1x40xf32>
    %add3A_58 = vector.broadcast %get3A_57 : vector<1x40xf32> to vector<10000x40xf32>
    %add3A_59 = arith.addf %dot_general3A_54, %add3A_58 : vector<10000x40xf32>
    %reduce_max3A = arith.constant dense<0xFF800000> : vector<10000xf32>
    %reduce_max3A_60 = vector.multi_reduction <maximumf>, %add3A_59, %reduce_max3A [1] : vector<10000x40xf32> to vector<10000xf32>
    %broadcast_in_dim3A_61 = vector.shape_cast %reduce_max3A_60 : vector<10000xf32> to vector<10000x1xf32>
    %sub3A_62 = vector.broadcast %broadcast_in_dim3A_61 : vector<10000x1xf32> to vector<10000x40xf32>
    %sub3A_63 = arith.subf %add3A_59, %sub3A_62 : vector<10000x40xf32>
    %exp3A = math.exp %sub3A_63 : vector<10000x40xf32>
    %reduce_sum3A_64 = arith.constant dense<0.000000e+00> : vector<10000xf32>
    %reduce_sum3A_65 = vector.multi_reduction <add>, %exp3A, %reduce_sum3A_64 [1] : vector<10000x40xf32> to vector<10000xf32>
    %broadcast_in_dim3A_66 = vector.shape_cast %reduce_sum3A_65 : vector<10000xf32> to vector<10000x1xf32>
    %log3A = math.log %broadcast_in_dim3A_66 : vector<10000x1xf32>
    %sub3A_67 = vector.broadcast %log3A : vector<10000x1xf32> to vector<10000x40xf32>
    %sub3A_68 = arith.subf %sub3A_63, %sub3A_67 : vector<10000x40xf32>
    %swap3A = arith.constant 0 : index
    %swap3A_69 = arith.constant 0 : index
    %swap3A_70 = vector.load %arg8[%swap3A, %swap3A_69] : memref<10000x40xf32, #tpu.memory_space<vmem>>, vector<10000x40xf32>
    tpu.vector_store %arg8[%swap3A, %swap3A_69], %sub3A_68 {strides = array<i32>} : memref<10000x40xf32, #tpu.memory_space<vmem>>, vector<10000x40xf32>,
    return
  }
}

</mosaic_0001>

<sc_bundles>
// kernel: kernel.10.cloned.1.call-start
scs
__scs_entry_jumppad:
0x0: {  	(pc) =	sbr.rel $0x88, $3  }
0x1: {  	(tag) =	ssettag $0x0;
	lr =	simm.s32 $0x1  }
0x2: {  	[smem:$0x3F93] =	sst lr;
	_ =	strace $0xD0000000  }
0x3: {  	_ = 	snop  }
0x4: {  	_ = 	snop  }
0x5: {  	_ = 	snop  }
0x6: {  	_ = 	snop  }
0x7: {  	_ = 	snop  }
__scs_overlays_trampoline_lowered:
0x8: {  	[smem:$0x3FA2] =	sst s0  }
0x9: {  	[smem:$0x3FA3] =	sst s1  }
0xa: {  	[smem:$0x3FA4] =	sst s2  }
0xb: {  	[smem:$0x3FA5] =	sst s3  }
0xc: {  	[smem:$0x3FA6] =	sst s4  }
0xd: {  	[smem:$0x3FA7] =	sst s5  }
0xe: {  	[smem:$0x3FA8] =	sst s6  }
0xf: {  	[smem:$0x3FA9] =	sst s7  }
0x10: {  	[smem:$0x3FAA] =	sst s8  }
0x11: {  	[smem:$0x3FAB] =	sst s9;
	s0 =	simm.s32 @!p0 $0x0  }
0x12: {  	s1 =	sld [smem:$0x3F91];
	s0 =	simm.s32 @p0 $0x1  }
0x13: {  	[smem:$0x3FAC] =	sst s0;
	s0 =	simm.s32 @!p1 $0x0  }
0x14: {  	s2 =	sld [smem:$0x3F90];
	s0 =	simm.s32 @p1 $0x1  }
0x15: {  	[smem:$0x3FAD] =	sst s0;
	s0 =	simm.s32 @!p2 $0x0  }
0x16: {  	s3 =	sld [smem:$0x3FDB];
	s0 =	simm.s32 @p2 $0x1  }
0x17: {  	s4 =	simm.s32 $0x1BF5;
	[smem:$0x3FAF] =	sst s0  }
0x18: {  	s0 =	sld [smem:$0x3F92];
	_ =	swait.ge [sflag:s4], $0x0  }
0x19: {  	s7 =	sld [smem:$0x3F93]  }
0x1a: {  	s8 =	sadd.s32 $0xFFFFE003, lr  }
0x1b: {  	s9 =	sadd.s32 $0xFFFFFEF7, lr;
	s5 =	simm.s32 $0xFFFFFFFF;
	p2 =	slt.u32 s8, $0xFFFFF086  }
0x1c: {  	p1 =	slt.u32 s9, $0xF7A;
	s5 =	simm.s32 @!p2 $0x0  }
0x1d: {  	s5 =	simm.s32 @p1 $0x1;
	p0 =	seq.s32 s7, s2  }
0x1e: {  	s7 =	smul.u32 @!p0 $0xF7A, s2;
	p2 =	seq.s32 @!p0 s5, $0x0  }
0x1f: {  	s9 =	smul.u32 $0xF7A, s1;
	s8 =	simm.s32 @!p0 $0x1BF5;
	p2 =	por !p2, p0  }
0x20: {  	[sflag:s8] =	ssyncset.s32 @!p0 $0xFFFFF086;
	s6 =	sadd.s32 @!p0 s3, s7;
	s7 =	simm.s32 @!p0 $0x108  }
0x21: {  	s3 =	sadd.s32 s3, s9;
	s6 =	sadd.s32 @!p0 $0x88, s6;
	s7 =	simm.s32 @p2 $0x1082  }
0x22: {  	[simem:s7], [sflag:s8] =	dma.local @!p0 [hbm:s6], $0xF7A  }
0x23: {  	s9 =	sor.u32 $0xD0000000, s2;
	s6 =	simm.s32 $0x108;
	_ =	swait.ge @!p0 [sflag:s8], $0x0  }
0x24: {  	s3 =	sadd.s32 $0x88, s3;
	s6 =	simm.s32 @!p1 $0x1082;
	[sflag:s4] =	ssyncset.s32 $0xFFFFF086  }
0x25: {  	[simem:s6], [sflag:s4] =	dma.local [hbm:s3], $0xF7A  }
0x26: {  	[smem:$0x3F93] =	sst s1;
	(tag) =	ssettag s2;
	_ =	strace s9  }
0x27: {  	s1 =	sld [smem:$0x3FA3]  }
0x28: {  	s2 =	sld [smem:$0x3FA4]  }
0x29: {  	s4 =	sld [smem:$0x3FA6]  }
0x2a: {  	p0 =	seq.s32 s5, $0x0;
	s5 =	sld [smem:$0x3FA7]  }
0x2b: {  	s6 =	sld [smem:$0x3FA8]  }
0x2c: {  	s7 =	sld [smem:$0x3FA9]  }
0x2d: {  	s3 =	simm.s32 $0x108;
	s8 =	sld [smem:$0x3FAA]  }
0x2e: {  	s3 =	simm.s32 @!p0 $0x1082;
	s9 =	sld [smem:$0x3FAB]  }
0x2f: {  	lr =	sadd.s32 s0, s3;
	s0 =	sld [smem:$0x3FA2]  }
0x30: {  	s3 =	sld [smem:$0x3FA5]  }
0x31: {  	[smem:$0x3FAE] =	sst s10  }
0x32: {  	s10 =	sld [smem:$0x3FAC];
	_ =	sdelay $0x3  }
0x33: {  	p0 =	seq.s32 s10, $0x1;
	s10 =	sld [smem:$0x3FAE];
	_ =	sdelay $0x3  }
0x34: {  	[smem:$0x3FAE] =	sst s10  }
0x35: {  	s10 =	sld [smem:$0x3FAD];
	_ =	sdelay $0x3  }
0x36: {  	p1 =	seq.s32 s10, $0x1;
	s10 =	sld [smem:$0x3FAE];
	_ =	sdelay $0x3  }
0x37: {  	[smem:$0x3FAE] =	sst s10  }
0x38: {  	s10 =	sld [smem:$0x3FAF]  }
0x39: {  	_ = 	snop;
	(pc) =	sbr.ind lr, $3  }
0x3a: {  	_ = 	snop  }
0x3b: {  	_ = 	snop  }
0x3c: {  	p2 =	seq.s32 s10, $0x1;
	s10 =	sld [smem:$0x3FAE]  }
0x3d: {  	_ =	shalt  }
0x3e: {  	_ =	shalt  }
0x3f: {  	_ =	shalt  }
0x40: {  	_ =	shalt  }
0x41: {  	_ =	shalt  }
0x42: {  	_ =	shalt  }
0x43: {  	_ =	shalt  }
0x44: {  	_ =	shalt  }
0x45: {  	_ =	shalt  }
0x46: {  	_ =	shalt  }
0x47: {  	_ =	shalt  }
0x48: {  	_ =	shalt  }
0x49: {  	_ =	shalt  }
0x4a: {  	_ =	shalt  }
0x4b: {  	_ =	shalt  }
0x4c: {  	_ =	shalt  }
0x4d: {  	_ =	shalt  }
0x4e: {  	_ =	shalt  }
0x4f: {  	_ =	shalt  }
0x50: {  	_ =	shalt  }
0x51: {  	_ =	shalt  }
0x52: {  	_ =	shalt  }
0x53: {  	_ =	shalt  }
0x54: {  	_ =	shalt  }
0x55: {  	_ =	shalt  }
0x56: {  	_ =	shalt  }
0x57: {  	_ =	shalt  }
0x58: {  	_ =	shalt  }
0x59: {  	_ =	shalt  }
0x5a: {  	_ =	shalt  }
0x5b: {  	_ =	shalt  }
0x5c: {  	_ =	shalt  }
0x5d: {  	_ =	shalt  }
0x5e: {  	_ =	shalt  }
0x5f: {  	_ =	shalt  }
0x60: {  	_ =	shalt  }
0x61: {  	_ =	shalt  }
0x62: {  	_ =	shalt  }
0x63: {  	_ =	shalt  }
0x64: {  	_ =	shalt  }
0x65: {  	_ =	shalt  }
0x66: {  	_ =	shalt  }
0x67: {  	_ =	shalt  }
0x68: {  	_ =	shalt  }
0x69: {  	_ =	shalt  }
0x6a: {  	_ =	shalt  }
0x6b: {  	_ =	shalt  }
0x6c: {  	_ =	shalt  }
0x6d: {  	_ =	shalt  }
0x6e: {  	_ =	shalt  }
0x6f: {  	_ =	shalt  }
0x70: {  	_ =	shalt  }
0x71: {  	_ =	shalt  }
0x72: {  	_ =	shalt  }
0x73: {  	_ =	shalt  }
0x74: {  	_ =	shalt  }
0x75: {  	_ =	shalt  }
0x76: {  	_ =	shalt  }
0x77: {  	_ =	shalt  }
0x78: {  	_ =	shalt  }
0x79: {  	_ =	shalt  }
0x7a: {  	_ =	shalt  }
0x7b: {  	_ =	shalt  }
0x7c: {  	_ =	shalt  }
0x7d: {  	_ =	shalt  }
0x7e: {  	_ =	shalt  }
0x7f: {  	_ =	shalt  }
0x80: {  	_ =	shalt  }
0x81: {  	_ =	shalt  }
0x82: {  	_ =	shalt  }
0x83: {  	_ =	shalt  }
0x84: {  	_ =	shalt  }
0x85: {  	_ =	shalt  }
0x86: {  	_ =	shalt  }
0x87: {  	_ =	shalt  }
.Lfunc_end0:
.L_simem_size_0:
called_computation.1_lowered:
.L_overlay_start_0:
0x88: {  	s2 =	sld [smem:$0x3FD9]  }
0x89: {  	s3 =	sld [smem:$0x3FFE];
	_ =	sdelay $0x1  }
0x8a: {  	s1 =	srdreg.scid  }
0x8b: {  	s0 =	sand.u32 $0x1, s1  }
0x8c: {  	s17 =	sshll.u32 s0, $0xA;
	s2 =	sadd.s32 s3, s2  }
0x8d: {  	s2 =	sadd.s32 s2, s17  }
0x8e: {  	[smem:$0x3FBA] =	sst s2  }
0x8f: {  	_ = 	snop  }
0x90: {  	s2 =	sld [smem:$0x3FD0];
	(tm) =	ssettm $0x1  }
0x91: {  	s18 =	sld [smem:$0x3FFB];
	_ =	sdelay $0x3  }
0x92: {  	_ =	strace s18  }
0x93: {  	s3 =	sld [smem:$0x3FFC];
	_ =	sdelay $0x3  }
0x94: {  	_ =	strace s3  }
0x95: {  	s3 =	sld [smem:$0x3FFD];
	_ =	sdelay $0x3  }
0x96: {  	_ =	strace s3  }
0x97: {  	_ =	strace $0x8FFFFFFF  }
0x98: {  	s19 =	sld [smem:$0x3FDB];
	_ =	sdelay $0x1  }
0x99: {  	s4 =	simm.s32 $_scs_section_size  }
0x9a: {  	s5 =	simm.s32 $_size__tile_overlayer_lowered;
	s6 =	simm.s32 $_tile_overlayer_lowered  }
0x9b: {  	s22 =	simm.s32 $0x1BFF;
	s21 =	sshll.u32 s6, $0x1;
	s3 =	sadd.s32 s4, s19  }
0x9c: {  	s7 =	simm.s32 $0x0;
	s20 =	sshll.u32 s5, $0x1;
	s5 =	sadd.s32 s21, s3  }
0x9d: {  	[timem:s7], [sflag:s22] =	dma.local [hbm:s5], s20  }
0x9e: {  	_ =	swait.ge [sflag:s22], s20  }
0x9f: {  	s4 =	ssub.s32 $0x0, s20;
	[sflag:s22] =	ssyncset.done $0x0  }
0xa0: {  	[sflag:s22] =	ssyncadd.s32 s4;
	_ =	sdelay $0x1  }
0xa1: {  	s23 =	simm.s32 $0x1B8B  }
0xa2: {  	_ =	swait.ge [sflag:s23], $0x1  }
0xa3: {  	[sflag:s23] =	ssyncset.done $0x0  }
0xa4: {  	s25 =	simm.s32 $0x1B8E;
	s24 =	sld [smem:$0x3FFE];
	[sflag:s23] =	ssyncadd.s32 $0xFFFFFFFF  }
0xa5: {  	s26 =	simm.s32 $execute0_lowered;
	[smem:$0x3FD2] =	sst s25  }
0xa6: {  	s5 =	sshll.u32 s26, $0x1;
	_ =	strace $0x80000049;
	[dreg:$0x1] =	wrdreg $0xFFFFFFFF  }
0xa7: {  	s28 =	simm.s32 $_size_execute0_lowered;
	s3 =	sadd.s32 s3, s5;
	[dreg:$0x0] =	wrdreg $0x0  }
0xa8: {  	s5 =	sshll.u32 s28, $0x1;
	[dreg:$0x2] =	wrdreg s3  }
0xa9: {  	[dreg:$0x3] =	wrdreg s5  }
0xaa: {  	[dreg:$0x4] =	wrdreg $0xC0  }
0xab: {  	_ =	task [dreg:s7], $0x5FFFF  }
0xac: {  	[dreg:$0x1] =	wrdreg $0xFFFFFFFF  }
0xad: {  	[dreg:$0x0] =	wrdreg $0x60  }
0xae: {  	[dreg:$0x2] =	wrdreg s24  }
0xaf: {  	[dreg:$0x3] =	wrdreg s2  }
0xb0: {  	[dreg:$0x4] =	wrdreg $0xC5C00  }
0xb1: {  	[dreg:$0x5] =	wrdreg $0x9  }
0xb2: {  	_ =	task.clear_ibuf [dreg:s7], $0x6FFFF;
	_ =	strace $0x90000049  }
0xb3: {  	s29 =	simm.s32 $0x9;
	_ =	strace $0x8000004B  }
0xb4: {  	_ =	swait.ge [sflag:s29], $0x1  }
0xb5: {  	[sflag:s29] =	ssyncadd.s32 $0xFFFFFFFF  }
0xb6: {  	_ =	strace $0x9000004B  }
0xb7: {  	_ =	sfence  }
0xb8: {  	s30 =	sld [smem:$0x0];
	_ =	sdelay $0x2  }
0xb9: {  	s31 =	sshll.u32 s1, $0xD;
	s1 =	sshrl.u32 s1, $0x2  }
0xba: {  	s3 =	sand.u32 $0x4000, s31;
	s1 =	sadd.s32 s1, s30  }
0xbb: {  	s0 =	sor.u32 s3, s0;
	s1 =	sshll.u32 s1, $0x11  }
0xbc: {  	s0 =	sor.u32 s1, s0  }
0xbd: {  	s0 =	sadd.s32 $0x8F2B, s0  }
0xbe: {  	[sflag:s0] =	ssyncadd.remote.s32 $0x1  }
0xbf: {  	_ =	sfence.sel $0xFFFF  }
0xc0: {  	[dreg:$0x0] =	wrdreg $0xFFFFFFFF;
	(pc) =	sbr.abs _section_cstart, $3  }
0xc1: {  	[dreg:$0x1] =	wrdreg $0xFFFFFFFF  }
0xc2: {  	_ =	task.clear_ibuf [dreg:s7], $0x2FFFF;
	_ =	strace $0x9FFFFFFF  }
0xc3: {  	(tm) =	ssettm $0x7FFFFFFF  }
tec
execute0_lowered:
.L_overlay_start_1:
0x0: {  	(tag) =	ssettag $0x1  }
0x1: {  	s0 =	rddreg [dreg:$0x0]  }
0x2: {  	s1 =	srdreg.scid;
	s5 =	rddreg [dreg:$0x1]  }
0x3: {  	s8 =	stileid.u32;
	s2 =	rddreg [dreg:$0x2];
	s3 =	simm.s32 $0x0  }
0x4: {  	s19 =	simm.s32 $0x4;
	s20 =	simm.s32 $0x2800;
	s21 =	simm.s32 $0xADC0  }
0x5: {  	s22 =	simm.s32 $0x7D;
	s23 =	simm.s32 $0x5000;
	s6 =	smul.u32 $0x2800, s8  }
0x6: {  	s24 =	simm.s32 $0x1;
	s28 =	simm.s32 $0x7EE0;
	s9 =	smul.u32 $0xF000, s8  }
0x7: {  	s30 =	simm.s32 $0x2;
	s1 =	sand.u32 $0x1, s1;
	s8 =	smul.u32 $0x3C000, s8  }
0x8: {  	s31 =	simm.s32 $0x3;
	[smem:$0x7FF] =	sst s3;
	s4 =	smul.u32 $0x28000, s1  }
0x9: {  	s7 =	smul.u32 $0xF0000, s1;
	_ =	strace $0x8000004A;
	s1 =	ssub.s32 $0x2, s1  }
0xa: {  	s26 =	sshrl.u32 s1, $0x1;
	s8 =	sshrl.u32 s8, $0x2;
	s29 =	sadd.s32 s9, s2  }
0xb: {  	s6 =	sadd.s32 s6, s4;
	s4 =	sadd.s32 $0xC000, s0;
	s7 =	sadd.s32 s9, s7  }
0xc: {  	s1 =	ssub.s32 s1, s26;
	s8 =	sadd.s32 s8, s2;
	s25 =	sshrl.u32 s29, $0x3  }
0xd: {  	s6 =	sshrl.u32 s6, $0x3;
	s7 =	sshrl.u32 s7, $0x3;
	s9 =	smax.u32 s1, $0x1  }
0xe: {  	s11 =	sadd.s32 $0x3000, s8;
	s12 =	sadd.s32 $0x4800, s8;
	s13 =	sadd.s32 $0x6000, s8  }
0xf: {  	s14 =	sadd.s32 $0x7800, s8;
	s15 =	sadd.s32 $0x9000, s8;
	s16 =	sadd.s32 $0xA800, s8  }
0x10: {  	s17 =	sadd.s32 $0xC000, s8;
	s18 =	sadd.s32 $0xD800, s8;
	s1 =	simm.s32 $0x0  }
0x11: {  	s10 =	sadd.s32 s6, s0;
	s0 =	sadd.s32 s7, s0;
	s5 =	sadd.s32 s5, s6  }
0x12: {  	v0 =	vimm.f32 $0.0e+00;
	s6 =	sadd.s32 $0x2000, s10;
	s7 =	sadd.s32 $0x29600, s0;
	s10 =	sadd.s32 $0x1800, s8  }
.LBB2_1:
0x13: {  	[tilespmem:s3], [sflag:$0x4] =	stream.linear.gather [hbm4b:s5+s3], $0x2800, $0x38;
	[tilespmem:$0x1B5C0] =	vst v63  }
0x14: {  	_ =	swait.ge [sflag:s19], $0x2800  }
0x15: {  	[sflag:s19] =	ssyncset.done $0x0  }
0x16: {  	[sflag:s19] =	ssyncadd.s32 $0xFFFFD800  }
0x17: {  	[tilespmem:s20], [sflag:$0x4] =	stream.linear.gather [hbm4b:s6+s3], $0x2800, $0x38;
	[tilespmem:$0x1B5C0] =	vst v63  }
0x18: {  	_ =	swait.ge [sflag:s19], $0x2800  }
0x19: {  	[sflag:s19] =	ssyncset.done $0x0  }
0x1a: {  	s0 =	simm.s32 $0x0;
	[sflag:s19] =	ssyncadd.s32 $0xFFFFD800  }
0x1b: {  	[tilespmem:s0+$0xAE10] =	vst v0  }
0x1c: {  	[tilespmem:s0+$0xADC0] =	vst v0  }
0x1d: {  	[tilespmem:s0+$0xADD0] =	vst v0  }
0x1e: {  	[tilespmem:s0+$0xADE0] =	vst v0  }
0x1f: {  	s26 =	simm.s32 $0x180;
	[tilespmem:s0+$0xADF0] =	vst v0  }
.LBB2_2:
0x20: {  	p0 =	sne.s32 s26, $0x5E80;
	[tilespmem:s0+$0xAE00] =	vst v0;
	s0 =	sshra.s32 s26, $0x2;
	s26 =	sadd.s32 $0x180, s26  }
.Ltmp0:
0x21: {  	[tilespmem:s0+$0xAE10] =	vst v0;
	(pc) =	sbr.rel @p0 .LBB2_2-.Ltmp0, $4  }
0x22: {  	[tilespmem:s0+$0xADC0] =	vst v0  }
0x23: {  	[tilespmem:s0+$0xADD0] =	vst v0  }
0x24: {  	[tilespmem:s0+$0xADE0] =	vst v0  }
0x25: {  	[tilespmem:s0+$0xADF0] =	vst v0  }
0x26: {  	[tilespmem:s0+$0xAE00] =	vst v0  }
0x27: {  	[spmem:s8] =	stream.linear.scatter [tilespmem:s21], [sflag:$0x4], $0x1800, $0x38;
	[tilespmem:$0x1B5C0] =	vst v63  }
0x28: {  	_ =	swait.ge [sflag:s19], $0x1800  }
0x29: {  	[sflag:s19] =	ssyncset.done $0x0  }
0x2a: {  	[sflag:s19] =	ssyncadd.s32 $0xFFFFE800  }
0x2b: {  	[spmem:s10] =	stream.linear.scatter [tilespmem:s21], [sflag:$0x4], $0x1800, $0x38;
	[tilespmem:$0x1B5C0] =	vst v63  }
0x2c: {  	_ =	swait.ge [sflag:s19], $0x1800  }
0x2d: {  	[sflag:s19] =	ssyncset.done $0x0  }
0x2e: {  	[sflag:s19] =	ssyncadd.s32 $0xFFFFE800  }
0x2f: {  	[spmem:s11] =	stream.linear.scatter [tilespmem:s21], [sflag:$0x4], $0x1800, $0x38;
	[tilespmem:$0x1B5C0] =	vst v63  }
0x30: {  	_ =	swait.ge [sflag:s19], $0x1800  }
0x31: {  	[sflag:s19] =	ssyncset.done $0x0  }
0x32: {  	[sflag:s19] =	ssyncadd.s32 $0xFFFFE800  }
0x33: {  	[spmem:s12] =	stream.linear.scatter [tilespmem:s21], [sflag:$0x4], $0x1800, $0x38;
	[tilespmem:$0x1B5C0] =	vst v63  }
0x34: {  	_ =	swait.ge [sflag:s19], $0x1800  }
0x35: {  	[sflag:s19] =	ssyncset.done $0x0  }
0x36: {  	[sflag:s19] =	ssyncadd.s32 $0xFFFFE800  }
0x37: {  	[spmem:s13] =	stream.linear.scatter [tilespmem:s21], [sflag:$0x4], $0x1800, $0x38;
	[tilespmem:$0x1B5C0] =	vst v63  }
0x38: {  	_ =	swait.ge [sflag:s19], $0x1800  }
0x39: {  	[sflag:s19] =	ssyncset.done $0x0  }
0x3a: {  	[sflag:s19] =	ssyncadd.s32 $0xFFFFE800  }
0x3b: {  	[spmem:s14] =	stream.linear.scatter [tilespmem:s21], [sflag:$0x4], $0x1800, $0x38;
	[tilespmem:$0x1B5C0] =	vst v63  }
0x3c: {  	_ =	swait.ge [sflag:s19], $0x1800  }
0x3d: {  	[sflag:s19] =	ssyncset.done $0x0  }
0x3e: {  	[sflag:s19] =	ssyncadd.s32 $0xFFFFE800  }
0x3f: {  	[spmem:s15] =	stream.linear.scatter [tilespmem:s21], [sflag:$0x4], $0x1800, $0x38;
	[tilespmem:$0x1B5C0] =	vst v63  }
0x40: {  	_ =	swait.ge [sflag:s19], $0x1800  }
0x41: {  	[sflag:s19] =	ssyncset.done $0x0  }
0x42: {  	[sflag:s19] =	ssyncadd.s32 $0xFFFFE800  }
0x43: {  	[spmem:s16] =	stream.linear.scatter [tilespmem:s21], [sflag:$0x4], $0x1800, $0x38;
	[tilespmem:$0x1B5C0] =	vst v63  }
0x44: {  	_ =	swait.ge [sflag:s19], $0x1800  }
0x45: {  	[sflag:s19] =	ssyncset.done $0x0  }
0x46: {  	[sflag:s19] =	ssyncadd.s32 $0xFFFFE800  }
0x47: {  	[spmem:s17] =	stream.linear.scatter [tilespmem:s21], [sflag:$0x4], $0x1800, $0x38;
	[tilespmem:$0x1B5C0] =	vst v63  }
0x48: {  	_ =	swait.ge [sflag:s19], $0x1800  }
0x49: {  	[sflag:s19] =	ssyncset.done $0x0  }
0x4a: {  	[sflag:s19] =	ssyncadd.s32 $0xFFFFE800  }
0x4b: {  	[spmem:s18] =	stream.linear.scatter [tilespmem:s21], [sflag:$0x4], $0x1800, $0x38;
	[tilespmem:$0x1B5C0] =	vst v63  }
0x4c: {  	_ =	swait.ge [sflag:s19], $0x1800  }
0x4d: {  	[sflag:s19] =	ssyncset.done $0x0  }
0x4e: {  	[sflag:s19] =	ssyncadd.s32 $0xFFFFE800  }
0x4f: {  	[bflag:$0x0] =	sbarrier.arrive $0xFFFF  }
0x50: {  	[tilespmem:s23], [sflag:$0x1] =	stream.indirect.gather [hbm4b:s4+s22], $0x60, s3, s22, $0xb8;
	[tilespmem:$0x1B5C0] =	vst v63  }
0x51: {  	_ =	swait.ge [sflag:s24], $0x2EE0  }
0x52: {  	[sflag:s24] =	ssyncset.done $0x0  }
0x53: {  	[sflag:s24] =	ssyncadd.s32 $0xFFFFD120  }
0x54: {  	[spmem:s2] =	stream.indirect.scatter.add.f32 [tilespmem:s23], [sflag:$0x2], $0x60, s20, s22, $0xb8;
	[tilespmem:$0x1B5C0] =	vst v63  }
0x55: {  	s29 =	simm.s32 $0x80  }
0x56: {  	[tilespmem:s28], [sflag:$0x1] =	stream.indirect.gather [hbm4b:s4+s22], $0x60, s29, s22, $0xb8;
	[tilespmem:$0x1B5C0] =	vst v63  }
0x57: {  	_ =	swait.ge [sflag:s24], $0x2EE0  }
0x58: {  	[sflag:s24] =	ssyncset.done $0x0  }
0x59: {  	s26 =	simm.s32 $0x2880;
	[sflag:s24] =	ssyncadd.s32 $0xFFFFD120  }
0x5a: {  	[spmem:s2] =	stream.indirect.scatter.add.f32 [tilespmem:s28], [sflag:$0x3], $0x60, s26, s22, $0xb8;
	[tilespmem:$0x1B5C0] =	vst v63  }
0x5b: {  	_ =	swait.ge [sflag:s30], $0x2EE0  }
0x5c: {  	[sflag:s30] =	ssyncset.done $0x0  }
0x5d: {  	s29 =	simm.s32 $0x100;
	[sflag:s30] =	ssyncadd.s32 $0xFFFFD120  }
0x5e: {  	[tilespmem:s23], [sflag:$0x1] =	stream.indirect.gather [hbm4b:s4+s22], $0x60, s29, s22, $0xb8;
	[tilespmem:$0x1B5C0] =	vst v63  }
0x5f: {  	_ =	swait.ge [sflag:s24], $0x2EE0  }
0x60: {  	[sflag:s24] =	ssyncset.done $0x0  }
0x61: {  	s26 =	simm.s32 $0x2900;
	[sflag:s24] =	ssyncadd.s32 $0xFFFFD120  }
0x62: {  	[spmem:s2] =	stream.indirect.scatter.add.f32 [tilespmem:s23], [sflag:$0x2], $0x60, s26, s22, $0xb8;
	[tilespmem:$0x1B5C0] =	vst v63  }
0x63: {  	_ =	swait.ge [sflag:s31], $0x2EE0  }
0x64: {  	[sflag:s31] =	ssyncset.done $0x0  }
0x65: {  	s29 =	simm.s32 $0x180;
	[sflag:s31] =	ssyncadd.s32 $0xFFFFD120  }
0x66: {  	[tilespmem:s28], [sflag:$0x1] =	stream.indirect.gather [hbm4b:s4+s22], $0x60, s29, s22, $0xb8;
	[tilespmem:$0x1B5C0] =	vst v63  }
0x67: {  	_ =	swait.ge [sflag:s24], $0x2EE0  }
0x68: {  	[sflag:s24] =	ssyncset.done $0x0  }
0x69: {  	s0 =	simm.s32 $0xFFFF6800;
	s26 =	simm.s32 $0x2980;
	[sflag:s24] =	ssyncadd.s32 $0xFFFFD120  }
.LBB2_4:
0x6a: {  	[spmem:s2] =	stream.indirect.scatter.add.f32 [tilespmem:s28], [sflag:$0x3], $0x60, s26, s22, $0xb8;
	[tilespmem:$0x1B5C0] =	vst v63  }
0x6b: {  	s26 =	smov.u32 s0  }
0x6c: {  	p0 =	sne.s32 s0, $0xFFFFFC00;
	s0 =	sadd.s32 $0x400, s0;
	_ =	swait.ge [sflag:s30], $0x2EE0  }
0x6d: {  	s26 =	sshra.s32 s26, $0x2;
	[sflag:s30] =	ssyncset.done $0x0  }
0x6e: {  	s29 =	sadd.s32 $0x2800, s26;
	[sflag:s30] =	ssyncadd.s32 $0xFFFFD120  }
0x6f: {  	[tilespmem:s23], [sflag:$0x1] =	stream.indirect.gather [hbm4b:s4+s22], $0x60, s29, s22, $0xb8;
	[tilespmem:$0x1B5C0] =	vst v63  }
0x70: {  	_ =	swait.ge [sflag:s24], $0x2EE0  }
0x71: {  	[sflag:s24] =	ssyncset.done $0x0  }
0x72: {  	s29 =	sadd.s32 $0x5000, s26;
	[sflag:s24] =	ssyncadd.s32 $0xFFFFD120  }
0x73: {  	[spmem:s2] =	stream.indirect.scatter.add.f32 [tilespmem:s23], [sflag:$0x2], $0x60, s29, s22, $0xb8;
	[tilespmem:$0x1B5C0] =	vst v63  }
0x74: {  	_ =	swait.ge [sflag:s31], $0x2EE0  }
0x75: {  	[sflag:s31] =	ssyncset.done $0x0  }
.Ltmp1:
0x76: {  	s29 =	sadd.s32 $0x2880, s26;
	[sflag:s31] =	ssyncadd.s32 $0xFFFFD120;
	(pc) =	sbr.rel @p0 .LBB2_4-.Ltmp1, $4  }
0x77: {  	[tilespmem:s28], [sflag:$0x1] =	stream.indirect.gather [hbm4b:s4+s22], $0x60, s29, s22, $0xb8;
	[tilespmem:$0x1B5C0] =	vst v63  }
0x78: {  	_ =	swait.ge [sflag:s24], $0x2EE0  }
0x79: {  	[sflag:s24] =	ssyncset.done $0x0  }
0x7a: {  	s26 =	sadd.s32 $0x5080, s26;
	[sflag:s24] =	ssyncadd.s32 $0xFFFFD120  }
0x7b: {  	[spmem:s2] =	stream.indirect.scatter.add.f32 [tilespmem:s28], [sflag:$0x3], $0x60, s26, s22, $0xb8;
	[tilespmem:$0x1B5C0] =	vst v63  }
0x7c: {  	_ =	swait.ge [sflag:s30], $0x2EE0  }
0x7d: {  	[sflag:s30] =	ssyncset.done $0x0  }
0x7e: {  	[sflag:s30] =	ssyncadd.s32 $0xFFFFD120  }
0x7f: {  	_ =	swait.ge [sflag:s31], $0x2EE0  }
0x80: {  	s0 =	stileid.u32;
	s1 =	sadd.s32 $0x1, s1;
	[sflag:s31] =	ssyncset.done $0x0  }
0x81: {  	s0 =	sshll.u32 s0, $0x6;
	p0 =	sne.s32 s1, s9;
	[sflag:s31] =	ssyncadd.s32 $0xFFFFD120  }
.Ltmp2:
0x82: {  	s0 =	sor.u32 $0x1C04, s0;
	[bflag:$0x0] =	sbarrier.arrive $0xFFFF;
	(pc) =	sbr.rel @p0 .LBB2_1-.Ltmp2, $4  }
0x83: {  	[hbm:s7], [sflag:s0] =	dma.local [spmem:s25], $0x1E00  }
0x84: {  	_ =	swait.ge [sflag:s19], $0x1E00  }
0x85: {  	[sflag:s19] =	ssyncset.done $0x0  }
0x86: {  	[sflag:s19] =	ssyncadd.s32 $0xFFFFE200  }
0x87: {  	_ =	sfence.sel $0x180000  }
0x88: {  	[bflag:$0x0] =	sbarrier.arrive $0xFFFF  }
0x89: {  	_ =	strace $0x9000004A  }
0x8a: {  	s0 =	stileid.u32;
	[bflag:$0x2] =	sbarrier.arrive $0xFFFF  }
0x8b: {  	p0 =	sne.s32 s0, $0x0;
	s0 =	rddreg [dreg:$0x3]  }
0x8c: {  	s0 =	sadd.s32 @!p0 $0x100000, s0  }
0x8d: {  	[sflag:s0] =	ssyncadd.tile.s32 @!p0 $0x1;
	_ =	shalt  }
.Lfunc_end2:
_tile_overlayer_lowered:
.L_overlay_start_2:
0x8e: {  	(tag) =	ssettag $0x2  }
0x8f: {  	s0 =	rddreg [dreg:$0x0];
	s2 =	stileid.u32  }
0x90: {  	s1 =	rddreg [dreg:$0x1];
	p0 =	sne.s32 s2, $0x0  }
0x91: {  	s3 =	rddreg [dreg:$0x2];
	[bflag:$0x3] =	sbarrier.arrive $0xFFFF;
	s2 =	simm.s32 @!p0 $0x1C04  }
0x92: {  	[timem:s3], [sflag:s2] =	dma.local @!p0 [hbm:s0], s1  }
0x93: {  	s0 =	simm.s32 @!p0 $0x4  }
0x94: {  	_ =	swait.ge @!p0 [sflag:s0], s1  }
0x95: {  	s1 =	ssub.s32 @!p0 $0x0, s1;
	[sflag:s0] =	ssyncset.done @!p0 $0x0  }
0x96: {  	[sflag:s0] =	ssyncadd.s32 @!p0 s1  }
0x97: {  	[bflag:$0x3] =	sbarrier.arrive $0xFFFF  }
0x98: {  	_ =	shalt  }

// kernel: kernel.7.cloned.1.call-start
scs
__scs_entry_jumppad:
0x0: {  	(pc) =	sbr.rel $0x88, $3  }
0x1: {  	(tag) =	ssettag $0x0;
	lr =	simm.s32 $0x1  }
0x2: {  	[smem:$0x3F93] =	sst lr;
	_ =	strace $0xD0000000  }
0x3: {  	_ = 	snop  }
0x4: {  	_ = 	snop  }
0x5: {  	_ = 	snop  }
0x6: {  	_ = 	snop  }
0x7: {  	_ = 	snop  }
__scs_overlays_trampoline_lowered:
0x8: {  	[smem:$0x3FA2] =	sst s0  }
0x9: {  	[smem:$0x3FA3] =	sst s1  }
0xa: {  	[smem:$0x3FA4] =	sst s2  }
0xb: {  	[smem:$0x3FA5] =	sst s3  }
0xc: {  	[smem:$0x3FA6] =	sst s4  }
0xd: {  	[smem:$0x3FA7] =	sst s5  }
0xe: {  	[smem:$0x3FA8] =	sst s6  }
0xf: {  	[smem:$0x3FA9] =	sst s7  }
0x10: {  	[smem:$0x3FAA] =	sst s8  }
0x11: {  	[smem:$0x3FAB] =	sst s9;
	s0 =	simm.s32 @!p0 $0x0  }
0x12: {  	s1 =	sld [smem:$0x3F91];
	s0 =	simm.s32 @p0 $0x1  }
0x13: {  	[smem:$0x3FAC] =	sst s0;
	s0 =	simm.s32 @!p1 $0x0  }
0x14: {  	s2 =	sld [smem:$0x3F90];
	s0 =	simm.s32 @p1 $0x1  }
0x15: {  	[smem:$0x3FAD] =	sst s0;
	s0 =	simm.s32 @!p2 $0x0  }
0x16: {  	s3 =	sld [smem:$0x3FDB];
	s0 =	simm.s32 @p2 $0x1  }
0x17: {  	s4 =	simm.s32 $0x1BF5;
	[smem:$0x3FAF] =	sst s0  }
0x18: {  	s0 =	sld [smem:$0x3F92];
	_ =	swait.ge [sflag:s4], $0x0  }
0x19: {  	s7 =	sld [smem:$0x3F93]  }
0x1a: {  	s8 =	sadd.s32 $0xFFFFE003, lr  }
0x1b: {  	s9 =	sadd.s32 $0xFFFFFEF7, lr;
	s5 =	simm.s32 $0xFFFFFFFF;
	p2 =	slt.u32 s8, $0xFFFFF086  }
0x1c: {  	p1 =	slt.u32 s9, $0xF7A;
	s5 =	simm.s32 @!p2 $0x0  }
0x1d: {  	s5 =	simm.s32 @p1 $0x1;
	p0 =	seq.s32 s7, s2  }
0x1e: {  	s7 =	smul.u32 @!p0 $0xF7A, s2;
	p2 =	seq.s32 @!p0 s5, $0x0  }
0x1f: {  	s9 =	smul.u32 $0xF7A, s1;
	s8 =	simm.s32 @!p0 $0x1BF5;
	p2 =	por !p2, p0  }
0x20: {  	[sflag:s8] =	ssyncset.s32 @!p0 $0xFFFFF086;
	s6 =	sadd.s32 @!p0 s3, s7;
	s7 =	simm.s32 @!p0 $0x108  }
0x21: {  	s3 =	sadd.s32 s3, s9;
	s6 =	sadd.s32 @!p0 $0x88, s6;
	s7 =	simm.s32 @p2 $0x1082  }
0x22: {  	[simem:s7], [sflag:s8] =	dma.local @!p0 [hbm:s6], $0xF7A  }
0x23: {  	s9 =	sor.u32 $0xD0000000, s2;
	s6 =	simm.s32 $0x108;
	_ =	swait.ge @!p0 [sflag:s8], $0x0  }
0x24: {  	s3 =	sadd.s32 $0x88, s3;
	s6 =	simm.s32 @!p1 $0x1082;
	[sflag:s4] =	ssyncset.s32 $0xFFFFF086  }
0x25: {  	[simem:s6], [sflag:s4] =	dma.local [hbm:s3], $0xF7A  }
0x26: {  	[smem:$0x3F93] =	sst s1;
	(tag) =	ssettag s2;
	_ =	strace s9  }
0x27: {  	s1 =	sld [smem:$0x3FA3]  }
0x28: {  	s2 =	sld [smem:$0x3FA4]  }
0x29: {  	s4 =	sld [smem:$0x3FA6]  }
0x2a: {  	p0 =	seq.s32 s5, $0x0;
	s5 =	sld [smem:$0x3FA7]  }
0x2b: {  	s6 =	sld [smem:$0x3FA8]  }
0x2c: {  	s7 =	sld [smem:$0x3FA9]  }
0x2d: {  	s3 =	simm.s32 $0x108;
	s8 =	sld [smem:$0x3FAA]  }
0x2e: {  	s3 =	simm.s32 @!p0 $0x1082;
	s9 =	sld [smem:$0x3FAB]  }
0x2f: {  	lr =	sadd.s32 s0, s3;
	s0 =	sld [smem:$0x3FA2]  }
0x30: {  	s3 =	sld [smem:$0x3FA5]  }
0x31: {  	[smem:$0x3FAE] =	sst s10  }
0x32: {  	s10 =	sld [smem:$0x3FAC];
	_ =	sdelay $0x3  }
0x33: {  	p0 =	seq.s32 s10, $0x1;
	s10 =	sld [smem:$0x3FAE];
	_ =	sdelay $0x3  }
0x34: {  	[smem:$0x3FAE] =	sst s10  }
0x35: {  	s10 =	sld [smem:$0x3FAD];
	_ =	sdelay $0x3  }
0x36: {  	p1 =	seq.s32 s10, $0x1;
	s10 =	sld [smem:$0x3FAE];
	_ =	sdelay $0x3  }
0x37: {  	[smem:$0x3FAE] =	sst s10  }
0x38: {  	s10 =	sld [smem:$0x3FAF]  }
0x39: {  	_ = 	snop;
	(pc) =	sbr.ind lr, $3  }
0x3a: {  	_ = 	snop  }
0x3b: {  	_ = 	snop  }
0x3c: {  	p2 =	seq.s32 s10, $0x1;
	s10 =	sld [smem:$0x3FAE]  }
0x3d: {  	_ =	shalt  }
0x3e: {  	_ =	shalt  }
0x3f: {  	_ =	shalt  }
0x40: {  	_ =	shalt  }
0x41: {  	_ =	shalt  }
0x42: {  	_ =	shalt  }
0x43: {  	_ =	shalt  }
0x44: {  	_ =	shalt  }
0x45: {  	_ =	shalt  }
0x46: {  	_ =	shalt  }
0x47: {  	_ =	shalt  }
0x48: {  	_ =	shalt  }
0x49: {  	_ =	shalt  }
0x4a: {  	_ =	shalt  }
0x4b: {  	_ =	shalt  }
0x4c: {  	_ =	shalt  }
0x4d: {  	_ =	shalt  }
0x4e: {  	_ =	shalt  }
0x4f: {  	_ =	shalt  }
0x50: {  	_ =	shalt  }
0x51: {  	_ =	shalt  }
0x52: {  	_ =	shalt  }
0x53: {  	_ =	shalt  }
0x54: {  	_ =	shalt  }
0x55: {  	_ =	shalt  }
0x56: {  	_ =	shalt  }
0x57: {  	_ =	shalt  }
0x58: {  	_ =	shalt  }
0x59: {  	_ =	shalt  }
0x5a: {  	_ =	shalt  }
0x5b: {  	_ =	shalt  }
0x5c: {  	_ =	shalt  }
0x5d: {  	_ =	shalt  }
0x5e: {  	_ =	shalt  }
0x5f: {  	_ =	shalt  }
0x60: {  	_ =	shalt  }
0x61: {  	_ =	shalt  }
0x62: {  	_ =	shalt  }
0x63: {  	_ =	shalt  }
0x64: {  	_ =	shalt  }
0x65: {  	_ =	shalt  }
0x66: {  	_ =	shalt  }
0x67: {  	_ =	shalt  }
0x68: {  	_ =	shalt  }
0x69: {  	_ =	shalt  }
0x6a: {  	_ =	shalt  }
0x6b: {  	_ =	shalt  }
0x6c: {  	_ =	shalt  }
0x6d: {  	_ =	shalt  }
0x6e: {  	_ =	shalt  }
0x6f: {  	_ =	shalt  }
0x70: {  	_ =	shalt  }
0x71: {  	_ =	shalt  }
0x72: {  	_ =	shalt  }
0x73: {  	_ =	shalt  }
0x74: {  	_ =	shalt  }
0x75: {  	_ =	shalt  }
0x76: {  	_ =	shalt  }
0x77: {  	_ =	shalt  }
0x78: {  	_ =	shalt  }
0x79: {  	_ =	shalt  }
0x7a: {  	_ =	shalt  }
0x7b: {  	_ =	shalt  }
0x7c: {  	_ =	shalt  }
0x7d: {  	_ =	shalt  }
0x7e: {  	_ =	shalt  }
0x7f: {  	_ =	shalt  }
0x80: {  	_ =	shalt  }
0x81: {  	_ =	shalt  }
0x82: {  	_ =	shalt  }
0x83: {  	_ =	shalt  }
0x84: {  	_ =	shalt  }
0x85: {  	_ =	shalt  }
0x86: {  	_ =	shalt  }
0x87: {  	_ =	shalt  }
.Lfunc_end0:
.L_simem_size_0:
called_computation_lowered:
.L_overlay_start_0:
0x88: {  	s2 =	sld [smem:$0x3FD9]  }
0x89: {  	s3 =	sld [smem:$0x3FFE];
	_ =	sdelay $0x1  }
0x8a: {  	s1 =	srdreg.scid  }
0x8b: {  	s0 =	sand.u32 $0x1, s1  }
0x8c: {  	s17 =	sshll.u32 s0, $0xA;
	s2 =	sadd.s32 s3, s2  }
0x8d: {  	s2 =	sadd.s32 s2, s17  }
0x8e: {  	[smem:$0x3FBA] =	sst s2  }
0x8f: {  	_ = 	snop  }
0x90: {  	s2 =	sld [smem:$0x3FD0];
	(tm) =	ssettm $0x1  }
0x91: {  	s18 =	sld [smem:$0x3FFB];
	_ =	sdelay $0x3  }
0x92: {  	_ =	strace s18  }
0x93: {  	s3 =	sld [smem:$0x3FFC];
	_ =	sdelay $0x3  }
0x94: {  	_ =	strace s3  }
0x95: {  	s3 =	sld [smem:$0x3FFD];
	_ =	sdelay $0x3  }
0x96: {  	_ =	strace s3  }
0x97: {  	_ =	strace $0x8FFFFFFF  }
0x98: {  	s19 =	sld [smem:$0x3FDB];
	_ =	sdelay $0x1  }
0x99: {  	s4 =	simm.s32 $_scs_section_size  }
0x9a: {  	s5 =	simm.s32 $_size__tile_overlayer_lowered;
	s6 =	simm.s32 $_tile_overlayer_lowered  }
0x9b: {  	s22 =	simm.s32 $0x1BFF;
	s21 =	sshll.u32 s6, $0x1;
	s3 =	sadd.s32 s4, s19  }
0x9c: {  	s7 =	simm.s32 $0x0;
	s20 =	sshll.u32 s5, $0x1;
	s5 =	sadd.s32 s21, s3  }
0x9d: {  	[timem:s7], [sflag:s22] =	dma.local [hbm:s5], s20  }
0x9e: {  	_ =	swait.ge [sflag:s22], s20  }
0x9f: {  	s4 =	ssub.s32 $0x0, s20;
	[sflag:s22] =	ssyncset.done $0x0  }
0xa0: {  	[sflag:s22] =	ssyncadd.s32 s4;
	_ =	sdelay $0x1  }
0xa1: {  	s23 =	simm.s32 $0x1B8B  }
0xa2: {  	_ =	swait.ge [sflag:s23], $0x1  }
0xa3: {  	[sflag:s23] =	ssyncset.done $0x0  }
0xa4: {  	s25 =	simm.s32 $0x1B8E;
	s24 =	sld [smem:$0x3FFE];
	[sflag:s23] =	ssyncadd.s32 $0xFFFFFFFF  }
0xa5: {  	s26 =	simm.s32 $execute0_lowered;
	[smem:$0x3FD2] =	sst s25  }
0xa6: {  	s5 =	sshll.u32 s26, $0x1;
	_ =	strace $0x80000046;
	[dreg:$0x1] =	wrdreg $0xFFFFFFFF  }
0xa7: {  	s28 =	simm.s32 $_size_execute0_lowered;
	s3 =	sadd.s32 s3, s5;
	[dreg:$0x0] =	wrdreg $0x0  }
0xa8: {  	s5 =	sshll.u32 s28, $0x1;
	[dreg:$0x2] =	wrdreg s3  }
0xa9: {  	[dreg:$0x3] =	wrdreg s5  }
0xaa: {  	[dreg:$0x4] =	wrdreg $0xC0  }
0xab: {  	_ =	task [dreg:s7], $0x5FFFF  }
0xac: {  	[dreg:$0x1] =	wrdreg $0xFFFFFFFF  }
0xad: {  	[dreg:$0x0] =	wrdreg $0x60  }
0xae: {  	[dreg:$0x2] =	wrdreg s24  }
0xaf: {  	[dreg:$0x3] =	wrdreg s2  }
0xb0: {  	[dreg:$0x4] =	wrdreg $0xC5C00  }
0xb1: {  	[dreg:$0x5] =	wrdreg $0x9  }
0xb2: {  	_ =	task.clear_ibuf [dreg:s7], $0x6FFFF;
	_ =	strace $0x90000046  }
0xb3: {  	s29 =	simm.s32 $0x9;
	_ =	strace $0x80000048  }
0xb4: {  	_ =	swait.ge [sflag:s29], $0x1  }
0xb5: {  	[sflag:s29] =	ssyncadd.s32 $0xFFFFFFFF  }
0xb6: {  	_ =	strace $0x90000048  }
0xb7: {  	_ =	sfence  }
0xb8: {  	s30 =	sld [smem:$0x0];
	_ =	sdelay $0x2  }
0xb9: {  	s31 =	sshll.u32 s1, $0xD;
	s1 =	sshrl.u32 s1, $0x2  }
0xba: {  	s3 =	sand.u32 $0x4000, s31;
	s1 =	sadd.s32 s1, s30  }
0xbb: {  	s0 =	sor.u32 s3, s0;
	s1 =	sshll.u32 s1, $0x11  }
0xbc: {  	s0 =	sor.u32 s1, s0  }
0xbd: {  	s0 =	sadd.s32 $0x8F2B, s0  }
0xbe: {  	[sflag:s0] =	ssyncadd.remote.s32 $0x1  }
0xbf: {  	_ =	sfence.sel $0xFFFF  }
0xc0: {  	[dreg:$0x0] =	wrdreg $0xFFFFFFFF;
	(pc) =	sbr.abs _section_cstart, $3  }
0xc1: {  	[dreg:$0x1] =	wrdreg $0xFFFFFFFF  }
0xc2: {  	_ =	task.clear_ibuf [dreg:s7], $0x2FFFF;
	_ =	strace $0x9FFFFFFF  }
0xc3: {  	(tm) =	ssettm $0x7FFFFFFF  }
tec
execute0_lowered:
.L_overlay_start_1:
0x0: {  	(tag) =	ssettag $0x1  }
0x1: {  	s0 =	rddreg [dreg:$0x0]  }
0x2: {  	s1 =	srdreg.scid;
	s5 =	rddreg [dreg:$0x1]  }
0x3: {  	s8 =	stileid.u32;
	s2 =	rddreg [dreg:$0x2];
	s3 =	simm.s32 $0x0  }
0x4: {  	s19 =	simm.s32 $0x4;
	s20 =	simm.s32 $0x2800;
	s21 =	simm.s32 $0xADC0  }
0x5: {  	s22 =	simm.s32 $0x7D;
	s23 =	simm.s32 $0x5000;
	s6 =	smul.u32 $0x2800, s8  }
0x6: {  	s24 =	simm.s32 $0x1;
	s28 =	simm.s32 $0x7EE0;
	s9 =	smul.u32 $0xF000, s8  }
0x7: {  	s30 =	simm.s32 $0x2;
	s1 =	sand.u32 $0x1, s1;
	s8 =	smul.u32 $0x3C000, s8  }
0x8: {  	s31 =	simm.s32 $0x3;
	[smem:$0x7FF] =	sst s3;
	s4 =	smul.u32 $0x28000, s1  }
0x9: {  	s7 =	smul.u32 $0xF0000, s1;
	_ =	strace $0x80000047;
	s1 =	ssub.s32 $0x2, s1  }
0xa: {  	s26 =	sshrl.u32 s1, $0x1;
	s8 =	sshrl.u32 s8, $0x2;
	s29 =	sadd.s32 s9, s2  }
0xb: {  	s6 =	sadd.s32 s6, s4;
	s4 =	sadd.s32 $0xC000, s0;
	s7 =	sadd.s32 s9, s7  }
0xc: {  	s1 =	ssub.s32 s1, s26;
	s8 =	sadd.s32 s8, s2;
	s25 =	sshrl.u32 s29, $0x3  }
0xd: {  	s6 =	sshrl.u32 s6, $0x3;
	s7 =	sshrl.u32 s7, $0x3;
	s9 =	smax.u32 s1, $0x1  }
0xe: {  	s11 =	sadd.s32 $0x3000, s8;
	s12 =	sadd.s32 $0x4800, s8;
	s13 =	sadd.s32 $0x6000, s8  }
0xf: {  	s14 =	sadd.s32 $0x7800, s8;
	s15 =	sadd.s32 $0x9000, s8;
	s16 =	sadd.s32 $0xA800, s8  }
0x10: {  	s17 =	sadd.s32 $0xC000, s8;
	s18 =	sadd.s32 $0xD800, s8;
	s1 =	simm.s32 $0x0  }
0x11: {  	s10 =	sadd.s32 s6, s0;
	s0 =	sadd.s32 s7, s0;
	s5 =	sadd.s32 s5, s6  }
0x12: {  	v0 =	vimm.f32 $0.0e+00;
	s6 =	sadd.s32 $0x2000, s10;
	s7 =	sadd.s32 $0x29600, s0;
	s10 =	sadd.s32 $0x1800, s8  }
.LBB2_1:
0x13: {  	[tilespmem:s3], [sflag:$0x4] =	stream.linear.gather [hbm4b:s5+s3], $0x2800, $0x38;
	[tilespmem:$0x1B5C0] =	vst v63  }
0x14: {  	_ =	swait.ge [sflag:s19], $0x2800  }
0x15: {  	[sflag:s19] =	ssyncset.done $0x0  }
0x16: {  	[sflag:s19] =	ssyncadd.s32 $0xFFFFD800  }
0x17: {  	[tilespmem:s20], [sflag:$0x4] =	stream.linear.gather [hbm4b:s6+s3], $0x2800, $0x38;
	[tilespmem:$0x1B5C0] =	vst v63  }
0x18: {  	_ =	swait.ge [sflag:s19], $0x2800  }
0x19: {  	[sflag:s19] =	ssyncset.done $0x0  }
0x1a: {  	s0 =	simm.s32 $0x0;
	[sflag:s19] =	ssyncadd.s32 $0xFFFFD800  }
0x1b: {  	[tilespmem:s0+$0xAE10] =	vst v0  }
0x1c: {  	[tilespmem:s0+$0xADC0] =	vst v0  }
0x1d: {  	[tilespmem:s0+$0xADD0] =	vst v0  }
0x1e: {  	[tilespmem:s0+$0xADE0] =	vst v0  }
0x1f: {  	s26 =	simm.s32 $0x180;
	[tilespmem:s0+$0xADF0] =	vst v0  }
.LBB2_2:
0x20: {  	p0 =	sne.s32 s26, $0x5E80;
	[tilespmem:s0+$0xAE00] =	vst v0;
	s0 =	sshra.s32 s26, $0x2;
	s26 =	sadd.s32 $0x180, s26  }
.Ltmp0:
0x21: {  	[tilespmem:s0+$0xAE10] =	vst v0;
	(pc) =	sbr.rel @p0 .LBB2_2-.Ltmp0, $4  }
0x22: {  	[tilespmem:s0+$0xADC0] =	vst v0  }
0x23: {  	[tilespmem:s0+$0xADD0] =	vst v0  }
0x24: {  	[tilespmem:s0+$0xADE0] =	vst v0  }
0x25: {  	[tilespmem:s0+$0xADF0] =	vst v0  }
0x26: {  	[tilespmem:s0+$0xAE00] =	vst v0  }
0x27: {  	[spmem:s8] =	stream.linear.scatter [tilespmem:s21], [sflag:$0x4], $0x1800, $0x38;
	[tilespmem:$0x1B5C0] =	vst v63  }
0x28: {  	_ =	swait.ge [sflag:s19], $0x1800  }
0x29: {  	[sflag:s19] =	ssyncset.done $0x0  }
0x2a: {  	[sflag:s19] =	ssyncadd.s32 $0xFFFFE800  }
0x2b: {  	[spmem:s10] =	stream.linear.scatter [tilespmem:s21], [sflag:$0x4], $0x1800, $0x38;
	[tilespmem:$0x1B5C0] =	vst v63  }
0x2c: {  	_ =	swait.ge [sflag:s19], $0x1800  }
0x2d: {  	[sflag:s19] =	ssyncset.done $0x0  }
0x2e: {  	[sflag:s19] =	ssyncadd.s32 $0xFFFFE800  }
0x2f: {  	[spmem:s11] =	stream.linear.scatter [tilespmem:s21], [sflag:$0x4], $0x1800, $0x38;
	[tilespmem:$0x1B5C0] =	vst v63  }
0x30: {  	_ =	swait.ge [sflag:s19], $0x1800  }
0x31: {  	[sflag:s19] =	ssyncset.done $0x0  }
0x32: {  	[sflag:s19] =	ssyncadd.s32 $0xFFFFE800  }
0x33: {  	[spmem:s12] =	stream.linear.scatter [tilespmem:s21], [sflag:$0x4], $0x1800, $0x38;
	[tilespmem:$0x1B5C0] =	vst v63  }
0x34: {  	_ =	swait.ge [sflag:s19], $0x1800  }
0x35: {  	[sflag:s19] =	ssyncset.done $0x0  }
0x36: {  	[sflag:s19] =	ssyncadd.s32 $0xFFFFE800  }
0x37: {  	[spmem:s13] =	stream.linear.scatter [tilespmem:s21], [sflag:$0x4], $0x1800, $0x38;
	[tilespmem:$0x1B5C0] =	vst v63  }
0x38: {  	_ =	swait.ge [sflag:s19], $0x1800  }
0x39: {  	[sflag:s19] =	ssyncset.done $0x0  }
0x3a: {  	[sflag:s19] =	ssyncadd.s32 $0xFFFFE800  }
0x3b: {  	[spmem:s14] =	stream.linear.scatter [tilespmem:s21], [sflag:$0x4], $0x1800, $0x38;
	[tilespmem:$0x1B5C0] =	vst v63  }
0x3c: {  	_ =	swait.ge [sflag:s19], $0x1800  }
0x3d: {  	[sflag:s19] =	ssyncset.done $0x0  }
0x3e: {  	[sflag:s19] =	ssyncadd.s32 $0xFFFFE800  }
0x3f: {  	[spmem:s15] =	stream.linear.scatter [tilespmem:s21], [sflag:$0x4], $0x1800, $0x38;
	[tilespmem:$0x1B5C0] =	vst v63  }
0x40: {  	_ =	swait.ge [sflag:s19], $0x1800  }
0x41: {  	[sflag:s19] =	ssyncset.done $0x0  }
0x42: {  	[sflag:s19] =	ssyncadd.s32 $0xFFFFE800  }
0x43: {  	[spmem:s16] =	stream.linear.scatter [tilespmem:s21], [sflag:$0x4], $0x1800, $0x38;
	[tilespmem:$0x1B5C0] =	vst v63  }
0x44: {  	_ =	swait.ge [sflag:s19], $0x1800  }
0x45: {  	[sflag:s19] =	ssyncset.done $0x0  }
0x46: {  	[sflag:s19] =	ssyncadd.s32 $0xFFFFE800  }
0x47: {  	[spmem:s17] =	stream.linear.scatter [tilespmem:s21], [sflag:$0x4], $0x1800, $0x38;
	[tilespmem:$0x1B5C0] =	vst v63  }
0x48: {  	_ =	swait.ge [sflag:s19], $0x1800  }
0x49: {  	[sflag:s19] =	ssyncset.done $0x0  }
0x4a: {  	[sflag:s19] =	ssyncadd.s32 $0xFFFFE800  }
0x4b: {  	[spmem:s18] =	stream.linear.scatter [tilespmem:s21], [sflag:$0x4], $0x1800, $0x38;
	[tilespmem:$0x1B5C0] =	vst v63  }
0x4c: {  	_ =	swait.ge [sflag:s19], $0x1800  }
0x4d: {  	[sflag:s19] =	ssyncset.done $0x0  }
0x4e: {  	[sflag:s19] =	ssyncadd.s32 $0xFFFFE800  }
0x4f: {  	[bflag:$0x0] =	sbarrier.arrive $0xFFFF  }
0x50: {  	[tilespmem:s23], [sflag:$0x1] =	stream.indirect.gather [hbm4b:s4+s22], $0x60, s3, s22, $0xb8;
	[tilespmem:$0x1B5C0] =	vst v63  }
0x51: {  	_ =	swait.ge [sflag:s24], $0x2EE0  }
0x52: {  	[sflag:s24] =	ssyncset.done $0x0  }
0x53: {  	[sflag:s24] =	ssyncadd.s32 $0xFFFFD120  }
0x54: {  	[spmem:s2] =	stream.indirect.scatter.add.f32 [tilespmem:s23], [sflag:$0x2], $0x60, s20, s22, $0xb8;
	[tilespmem:$0x1B5C0] =	vst v63  }
0x55: {  	s29 =	simm.s32 $0x80  }
0x56: {  	[tilespmem:s28], [sflag:$0x1] =	stream.indirect.gather [hbm4b:s4+s22], $0x60, s29, s22, $0xb8;
	[tilespmem:$0x1B5C0] =	vst v63  }
0x57: {  	_ =	swait.ge [sflag:s24], $0x2EE0  }
0x58: {  	[sflag:s24] =	ssyncset.done $0x0  }
0x59: {  	s26 =	simm.s32 $0x2880;
	[sflag:s24] =	ssyncadd.s32 $0xFFFFD120  }
0x5a: {  	[spmem:s2] =	stream.indirect.scatter.add.f32 [tilespmem:s28], [sflag:$0x3], $0x60, s26, s22, $0xb8;
	[tilespmem:$0x1B5C0] =	vst v63  }
0x5b: {  	_ =	swait.ge [sflag:s30], $0x2EE0  }
0x5c: {  	[sflag:s30] =	ssyncset.done $0x0  }
0x5d: {  	s29 =	simm.s32 $0x100;
	[sflag:s30] =	ssyncadd.s32 $0xFFFFD120  }
0x5e: {  	[tilespmem:s23], [sflag:$0x1] =	stream.indirect.gather [hbm4b:s4+s22], $0x60, s29, s22, $0xb8;
	[tilespmem:$0x1B5C0] =	vst v63  }
0x5f: {  	_ =	swait.ge [sflag:s24], $0x2EE0  }
0x60: {  	[sflag:s24] =	ssyncset.done $0x0  }
0x61: {  	s26 =	simm.s32 $0x2900;
	[sflag:s24] =	ssyncadd.s32 $0xFFFFD120  }
0x62: {  	[spmem:s2] =	stream.indirect.scatter.add.f32 [tilespmem:s23], [sflag:$0x2], $0x60, s26, s22, $0xb8;
	[tilespmem:$0x1B5C0] =	vst v63  }
0x63: {  	_ =	swait.ge [sflag:s31], $0x2EE0  }
0x64: {  	[sflag:s31] =	ssyncset.done $0x0  }
0x65: {  	s29 =	simm.s32 $0x180;
	[sflag:s31] =	ssyncadd.s32 $0xFFFFD120  }
0x66: {  	[tilespmem:s28], [sflag:$0x1] =	stream.indirect.gather [hbm4b:s4+s22], $0x60, s29, s22, $0xb8;
	[tilespmem:$0x1B5C0] =	vst v63  }
0x67: {  	_ =	swait.ge [sflag:s24], $0x2EE0  }
0x68: {  	[sflag:s24] =	ssyncset.done $0x0  }
0x69: {  	s0 =	simm.s32 $0xFFFF6800;
	s26 =	simm.s32 $0x2980;
	[sflag:s24] =	ssyncadd.s32 $0xFFFFD120  }
.LBB2_4:
0x6a: {  	[spmem:s2] =	stream.indirect.scatter.add.f32 [tilespmem:s28], [sflag:$0x3], $0x60, s26, s22, $0xb8;
	[tilespmem:$0x1B5C0] =	vst v63  }
0x6b: {  	s26 =	smov.u32 s0  }
0x6c: {  	p0 =	sne.s32 s0, $0xFFFFFC00;
	s0 =	sadd.s32 $0x400, s0;
	_ =	swait.ge [sflag:s30], $0x2EE0  }
0x6d: {  	s26 =	sshra.s32 s26, $0x2;
	[sflag:s30] =	ssyncset.done $0x0  }
0x6e: {  	s29 =	sadd.s32 $0x2800, s26;
	[sflag:s30] =	ssyncadd.s32 $0xFFFFD120  }
0x6f: {  	[tilespmem:s23], [sflag:$0x1] =	stream.indirect.gather [hbm4b:s4+s22], $0x60, s29, s22, $0xb8;
	[tilespmem:$0x1B5C0] =	vst v63  }
0x70: {  	_ =	swait.ge [sflag:s24], $0x2EE0  }
0x71: {  	[sflag:s24] =	ssyncset.done $0x0  }
0x72: {  	s29 =	sadd.s32 $0x5000, s26;
	[sflag:s24] =	ssyncadd.s32 $0xFFFFD120  }
0x73: {  	[spmem:s2] =	stream.indirect.scatter.add.f32 [tilespmem:s23], [sflag:$0x2], $0x60, s29, s22, $0xb8;
	[tilespmem:$0x1B5C0] =	vst v63  }
0x74: {  	_ =	swait.ge [sflag:s31], $0x2EE0  }
0x75: {  	[sflag:s31] =	ssyncset.done $0x0  }
.Ltmp1:
0x76: {  	s29 =	sadd.s32 $0x2880, s26;
	[sflag:s31] =	ssyncadd.s32 $0xFFFFD120;
	(pc) =	sbr.rel @p0 .LBB2_4-.Ltmp1, $4  }
0x77: {  	[tilespmem:s28], [sflag:$0x1] =	stream.indirect.gather [hbm4b:s4+s22], $0x60, s29, s22, $0xb8;
	[tilespmem:$0x1B5C0] =	vst v63  }
0x78: {  	_ =	swait.ge [sflag:s24], $0x2EE0  }
0x79: {  	[sflag:s24] =	ssyncset.done $0x0  }
0x7a: {  	s26 =	sadd.s32 $0x5080, s26;
	[sflag:s24] =	ssyncadd.s32 $0xFFFFD120  }
0x7b: {  	[spmem:s2] =	stream.indirect.scatter.add.f32 [tilespmem:s28], [sflag:$0x3], $0x60, s26, s22, $0xb8;
	[tilespmem:$0x1B5C0] =	vst v63  }
0x7c: {  	_ =	swait.ge [sflag:s30], $0x2EE0  }
0x7d: {  	[sflag:s30] =	ssyncset.done $0x0  }
0x7e: {  	[sflag:s30] =	ssyncadd.s32 $0xFFFFD120  }
0x7f: {  	_ =	swait.ge [sflag:s31], $0x2EE0  }
0x80: {  	s0 =	stileid.u32;
	s1 =	sadd.s32 $0x1, s1;
	[sflag:s31] =	ssyncset.done $0x0  }
0x81: {  	s0 =	sshll.u32 s0, $0x6;
	p0 =	sne.s32 s1, s9;
	[sflag:s31] =	ssyncadd.s32 $0xFFFFD120  }
.Ltmp2:
0x82: {  	s0 =	sor.u32 $0x1C04, s0;
	[bflag:$0x0] =	sbarrier.arrive $0xFFFF;
	(pc) =	sbr.rel @p0 .LBB2_1-.Ltmp2, $4  }
0x83: {  	[hbm:s7], [sflag:s0] =	dma.local [spmem:s25], $0x1E00  }
0x84: {  	_ =	swait.ge [sflag:s19], $0x1E00  }
0x85: {  	[sflag:s19] =	ssyncset.done $0x0  }
0x86: {  	[sflag:s19] =	ssyncadd.s32 $0xFFFFE200  }
0x87: {  	_ =	sfence.sel $0x180000  }
0x88: {  	[bflag:$0x0] =	sbarrier.arrive $0xFFFF  }
0x89: {  	_ =	strace $0x90000047  }
0x8a: {  	s0 =	stileid.u32;
	[bflag:$0x2] =	sbarrier.arrive $0xFFFF  }
0x8b: {  	p0 =	sne.s32 s0, $0x0;
	s0 =	rddreg [dreg:$0x3]  }
0x8c: {  	s0 =	sadd.s32 @!p0 $0x100000, s0  }
0x8d: {  	[sflag:s0] =	ssyncadd.tile.s32 @!p0 $0x1;
	_ =	shalt  }
.Lfunc_end2:
_tile_overlayer_lowered:
.L_overlay_start_2:
0x8e: {  	(tag) =	ssettag $0x2  }
0x8f: {  	s0 =	rddreg [dreg:$0x0];
	s2 =	stileid.u32  }
0x90: {  	s1 =	rddreg [dreg:$0x1];
	p0 =	sne.s32 s2, $0x0  }
0x91: {  	s3 =	rddreg [dreg:$0x2];
	[bflag:$0x3] =	sbarrier.arrive $0xFFFF;
	s2 =	simm.s32 @!p0 $0x1C04  }
0x92: {  	[timem:s3], [sflag:s2] =	dma.local @!p0 [hbm:s0], s1  }
0x93: {  	s0 =	simm.s32 @!p0 $0x4  }
0x94: {  	_ =	swait.ge @!p0 [sflag:s0], s1  }
0x95: {  	s1 =	ssub.s32 @!p0 $0x0, s1;
	[sflag:s0] =	ssyncset.done @!p0 $0x0  }
0x96: {  	[sflag:s0] =	ssyncadd.s32 @!p0 s1  }
0x97: {  	[bflag:$0x3] =	sbarrier.arrive $0xFFFF  }
0x98: {  	_ =	shalt  }

</sc_bundles>
